<compile_context>
chip_gen: v7x
topology: tpu7x:2x2x1
jax: 0.10.2.dev20260603
libtpu: 0.0.44.dev20260713+nightly
codegen_flags: <defaults>
</compile_context>

<pallas_src>
import jax
import jax.numpy as jnp
from jax import lax
from jax.experimental import pallas as pl
from jax.experimental.pallas import tpu as pltpu
from jax.experimental.pallas import tpu_sc as plsc

_L = 16
_N = 32768
_ROWS = 64
_BITS = (11, 11, 10)
_SHIFTS = (0, 11, 22)
_C = 4
_CH = _N // _C
_CV = _CH // _L


def _key_i32(xv):
    b = plsc.bitcast(xv, jnp.int32)
    return jnp.where(b < 0, ~b, b | jnp.int32(-(2 ** 31)))


def _digit(key, shift, bits):
    d = lax.shift_right_logical(key, shift) if shift else key
    return d & jnp.int32((1 << bits) - 1)


def _sort_one_row(row, x_hbm, vals_hbm, idx_hbm, xrow, buf_i, buf_f, hists):
    h0, h1, h2 = hists
    qshift = _CH.bit_length() - 1
    pltpu.sync_copy(x_hbm.at[row], xrow)

    zeros = jnp.zeros((_L,), jnp.int32)
    ones = jnp.ones((_L,), jnp.int32)
    min_vregs = (_C << min(_BITS)) // _L
    max_vregs = (_C << max(_BITS)) // _L

    def zero_all(j, _):
        for h in hists:
            h[pl.ds(j * _L, _L)] = zeros
        return 0
    lax.fori_loop(0, min_vregs, zero_all, 0)

    def zero_rest(j, _):
        for h, bits in zip(hists, _BITS):
            if (_C << bits) // _L == max_vregs:
                h[pl.ds(j * _L, _L)] = zeros
        return 0
    lax.fori_loop(min_vregs, max_vregs, zero_rest, 0)

    @plsc.parallel_loop(0, _CV, unroll=2)
    def hist0_body(i):
        ds = []
        for p in range(_C):
            pos = p * _CH + i * _L
            key = _key_i32(xrow[pl.ds(pos, _L)])
            ds.append((pos, key,
                       _digit(key, _SHIFTS[0], _BITS[0]) +
                       jnp.int32(p << _BITS[0])))
        for pos, key, d in ds:
            xrow[pl.ds(pos, _L)] = plsc.bitcast(key, jnp.float32)
            plsc.addupdate_scatter(h0, [d], ones)

    def offsets(h, bits):
        n = 1 << bits
        @plsc.parallel_loop(0, n // _L, unroll=2, carry=jnp.int32(0))
        def off_body(j, carry, h=h, n=n):
            c = [h[pl.ds(p * n + j * _L, _L)] for p in range(_C)]
            total = c[0]
            for p in range(1, _C):
                total = total + c[p]
            s = plsc.cumsum(total)
            run = s - total + carry
            for p in range(_C):
                h[pl.ds(p * n + j * _L, _L)] = run
                run = run + c[p]
            return carry + jnp.sum(total)

    def permute(src, dst, h, k, nh):
        shift, bits = _SHIFTS[k], _BITS[k]

        def body(i, _):
            ch = []
            for p in range(_C):
                pos = p * _CH + i * _L
                if k == 0:
                    idxv = lax.iota(jnp.int32, _L) + pos
                    key = plsc.bitcast(xrow[pl.ds(pos, _L)], jnp.int32)
                    d = _digit(key, shift, bits) + jnp.int32(p << bits)
                elif k == 1:
                    idxv = src[pl.ds(pos, _L)]
                    key = plsc.bitcast(plsc.load_gather(xrow, [idxv]),
                                       jnp.int32)
                    d = _digit(key, shift, bits) + jnp.int32(p << bits)
                else:
                    w = plsc.bitcast(src[pl.ds(pos, _L)], jnp.int32)
                    idxv = w & jnp.int32(0x7FFF)
                    key = None
                    d = (lax.shift_right_logical(w, 15)
                         + jnp.int32(p << bits))
                cnt, _unused = plsc.scan_count(d)
                offs = plsc.load_gather(h, [d])
                ch.append((idxv, key, d, cnt, offs))
            for idxv, key, d, cnt, offs in ch:
                plsc.addupdate_scatter(h, [d], ones)
                dest = offs + cnt - 1
                if k == 0:
                    plsc.store_scatter(dst, [dest], idxv)
                    dn = _digit(key, _SHIFTS[1], _BITS[1])
                    q = lax.shift_right_logical(dest, qshift)
                    plsc.addupdate_scatter(nh, [dn + (q << _BITS[1])], ones)
                elif k == 1:
                    dn = _digit(key, _SHIFTS[2], _BITS[2])
                    packed = plsc.bitcast((dn << 15) | idxv, jnp.float32)
                    plsc.store_scatter(dst, [dest], packed)
                    q = lax.shift_right_logical(dest, qshift)
                    plsc.addupdate_scatter(nh, [dn + (q << _BITS[2])], ones)
                else:
                    plsc.store_scatter(dst, [dest], idxv)
            return 0
        lax.fori_loop(0, _CV, body, 0)

    offsets(h0, _BITS[0])
    permute(None, buf_i, h0, 0, h1)
    offsets(h1, _BITS[1])
    permute(buf_i, buf_f, h1, 1, h2)
    offsets(h2, _BITS[2])
    permute(buf_f, buf_i, h2, 2, None)

    @plsc.parallel_loop(0, _CV, unroll=2)
    def final_body(i):
        ch = []
        for p in range(_C):
            pos = p * _CH + i * _L
            idxv = buf_i[pl.ds(pos, _L)]
            ch.append((pos, plsc.load_gather(xrow, [idxv])))
        for pos, kf in ch:
            k = plsc.bitcast(kf, jnp.int32)
            b = jnp.where(k < 0, k & jnp.int32(0x7FFFFFFF), ~k)
            buf_f[pl.ds(pos, _L)] = plsc.bitcast(b, jnp.float32)

    pltpu.sync_copy(buf_i, idx_hbm.at[row])
    pltpu.sync_copy(buf_f, vals_hbm.at[row])


def _body(x_hbm, vals_hbm, idx_hbm, xrow, buf_i, buf_f, h0, h1, h2):
    hists = (h0, h1, h2)
    wid = lax.axis_index("s") * 2 + lax.axis_index("c")

    def row_body(half, _):
        _sort_one_row(half * 32 + wid, x_hbm, vals_hbm, idx_hbm,
                      xrow, buf_i, buf_f, hists)
        return 0
    lax.fori_loop(0, _ROWS // 32, row_body, 0)


@jax.jit
def kernel(x):
    mesh = plsc.VectorSubcoreMesh(core_axis_name="c", subcore_axis_name="s")
    hist_types = [pltpu.VMEM((_C << bits,), jnp.int32) for bits in _BITS]
    sorter = pl.kernel(
        _body,
        out_type=(jax.ShapeDtypeStruct((_ROWS, _N), jnp.float32),
                  jax.ShapeDtypeStruct((_ROWS, _N), jnp.int32)),
        mesh=mesh,
        scratch_types=[
            pltpu.VMEM((_N,), jnp.float32),
            pltpu.VMEM((_N,), jnp.int32),
            pltpu.VMEM((_N,), jnp.float32),
        ] + hist_types,
        compiler_params=pltpu.CompilerParams(needs_layout_passes=False),
    )
    values, indices = sorter(x)
    return values, indices

# --- scband reference (transcript-rebuilt; emitter-appended) ---
"""Pipeline reference for scband-sort-model-58609123721881 (READ-ONLY COPY).

The authoritative reference and input builder live on the scoring server;
editing this copy changes nothing except your own understanding.
"""

import jax, jax.numpy as jnp
import numpy as np

def setup_inputs(seed: int = 0) -> dict:
    key = jax.random.key(seed)
    x = jax.random.normal(key, (64, 32768), dtype=jnp.float32)
    return {"x": x}

def reference(x):
    # torch.sort(x, dim=-1, descending=False, stable=False) returns (values, indices)
    values = jnp.sort(x, axis=-1)
    indices = jnp.argsort(x, axis=-1)
    return (values, indices)

if __name__ == "__main__":
    import jax
    _d = setup_inputs()
    print(jax.jit(kernel)(*tuple(_d.values())))

</pallas_src>

<mosaic_0001>
#map = affine_map<(d0, d1) -> (0, 0)>
module attributes {stable_mosaic.version = 14 : i64} {
  func.func @_body(%arg0: i32, %arg1: i32, %arg2: memref<64x32768xf32, #tpu.memory_space<hbm>>, %arg3: memref<64x32768xf32, #tpu.memory_space<hbm>>, %arg4: memref<64x32768xi32, #tpu.memory_space<hbm>>, %arg5: memref<32768xf32, #tpu.memory_space<vmem>>, %arg6: memref<32768xi32, #tpu.memory_space<vmem>>, %arg7: memref<32768xf32, #tpu.memory_space<vmem>>, %arg8: memref<8192xi32, #tpu.memory_space<vmem>>, %arg9: memref<8192xi32, #tpu.memory_space<vmem>>, %arg10: memref<4096xi32, #tpu.memory_space<vmem>>) attributes {dimension_semantics = [#tpu.dimension_semantics<core_parallel>, #tpu.dimension_semantics<subcore_parallel>], iteration_bounds = array<i64: 2, 16>, scalar_prefetch = 0 : i64, scratch_operands = 6 : i64, tpu.core_type = #tpu.core_type<sc_vector_subcore>, window_params = [{transform_indices = #map}, {transform_indices = #map}, {transform_indices = #map}]} {
    %mul3A = arith.constant 2 : i32
    %mul3A_0 = arith.muli %arg1, %mul3A : i32
    %add3A = arith.addi %mul3A_0, %arg0 : i32
    %scan3A = arith.constant 0 : i32
    %scan3A_1 = arith.constant 0 : i32
    %scan3A_2 = arith.constant 2 : i32
    %scan3A_3 = arith.addi %scan3A_1, %scan3A_2 : i32
    %scan3A_4 = arith.constant 1 : i32
    %scan3A_5 = scf.for %scan3A_7 = %scan3A_1 to %scan3A_3 step %scan3A_4 iter_args(%scan3A_8 = %scan3A) -> (i32)  : i32 {
      %mul3A_9 = arith.constant 32 : i32
      %mul3A_10 = arith.muli %scan3A_7, %mul3A_9 : i32
      %add3A_11 = arith.addi %mul3A_10, %add3A : i32
      "tpu.region"() ({
        %run_scoped3A = tpu.sem_alloc : memref<!tpu.dma_semaphore, #tpu.memory_space<semaphore_mem>>
        %dma_start3A = arith.constant 0 : i32
        %dma_start3A_71 = tpu.memref_slice %arg2[%add3A_11, %dma_start3A] : memref<64x32768xf32, #tpu.memory_space<hbm>> -> memref<1x32768xf32, #tpu.memory_space<hbm>>
        %dma_start3A_72 = tpu.memref_squeeze %dma_start3A_71 : memref<1x32768xf32, #tpu.memory_space<hbm>> -> memref<32768xf32, #tpu.memory_space<hbm>>
        %dma_start3A_73 = arith.constant 0 : i32
        %dma_start3A_74 = tpu.memref_slice %arg2[%add3A_11, %dma_start3A_73] : memref<64x32768xf32, #tpu.memory_space<hbm>> -> memref<1x32768xf32, #tpu.memory_space<hbm>>
        %dma_start3A_75 = tpu.memref_squeeze %dma_start3A_74 : memref<1x32768xf32, #tpu.memory_space<hbm>> -> memref<32768xf32, #tpu.memory_space<hbm>>
        tpu.enqueue_dma source(%dma_start3A_75 : memref<32768xf32, #tpu.memory_space<hbm>>) target(%arg5 : memref<32768xf32, #tpu.memory_space<vmem>>) target_semaphore(%run_scoped3A : memref<!tpu.dma_semaphore, #tpu.memory_space<semaphore_mem>>)
        %dma_wait3A = arith.constant 0 : i32
        %dma_wait3A_76 = tpu.memref_slice %arg2[%add3A_11, %dma_wait3A] : memref<64x32768xf32, #tpu.memory_space<hbm>> -> memref<1x32768xf32, #tpu.memory_space<hbm>>
        %dma_wait3A_77 = tpu.memref_squeeze %dma_wait3A_76 : memref<1x32768xf32, #tpu.memory_space<hbm>> -> memref<32768xf32, #tpu.memory_space<hbm>>
        %dma_wait3A_78 = arith.constant 0 : i32
        %dma_wait3A_79 = tpu.memref_slice %arg2[%add3A_11, %dma_wait3A_78] : memref<64x32768xf32, #tpu.memory_space<hbm>> -> memref<1x32768xf32, #tpu.memory_space<hbm>>
        %dma_wait3A_80 = tpu.memref_squeeze %dma_wait3A_79 : memref<1x32768xf32, #tpu.memory_space<hbm>> -> memref<32768xf32, #tpu.memory_space<hbm>>
        tpu.wait_dma2 semaphore(%run_scoped3A : memref<!tpu.dma_semaphore, #tpu.memory_space<semaphore_mem>>) src(%dma_wait3A_80 : memref<32768xf32, #tpu.memory_space<hbm>>) dst(%arg5 : memref<32768xf32, #tpu.memory_space<vmem>>)
        tpu.yield
      }) : () -> ()
      %broadcast_in_dim3A = arith.constant 0 : i32
      %broadcast_in_dim3A_12 = vector.broadcast %broadcast_in_dim3A : i32 to vector<16xi32>
      %broadcast_in_dim3A_13 = arith.constant 1 : i32
      %broadcast_in_dim3A_14 = vector.broadcast %broadcast_in_dim3A_13 : i32 to vector<16xi32>
      %scan3A_15 = arith.constant 0 : i32
      %scan3A_16 = arith.constant 0 : i32
      %scan3A_17 = arith.constant 256 : i32
      %scan3A_18 = arith.addi %scan3A_16, %scan3A_17 : i32
      %scan3A_19 = arith.constant 1 : i32
      %scan3A_20 = scf.for %scan3A_71 = %scan3A_16 to %scan3A_18 step %scan3A_19 iter_args(%scan3A_72 = %scan3A_15) -> (i32)  : i32 {
        %mul3A_73 = arith.constant 16 : i32
        %mul3A_74 = arith.muli %scan3A_71, %mul3A_73 : i32
        %swap3A = arith.index_cast %mul3A_74 : i32 to index
        %swap3A_75 = tpu.vector_load %arg8[%swap3A] {strides = array<i32>} : memref<8192xi32, #tpu.memory_space<vmem>>, vector<16xi32>,
        tpu.vector_store %arg8[%swap3A], %broadcast_in_dim3A_12 {strides = array<i32>} : memref<8192xi32, #tpu.memory_space<vmem>>, vector<16xi32>,
        %mul3A_76 = arith.constant 16 : i32
        %mul3A_77 = arith.muli %scan3A_71, %mul3A_76 : i32
        %swap3A_78 = arith.index_cast %mul3A_77 : i32 to index
        %swap3A_79 = tpu.vector_load %arg9[%swap3A_78] {strides = array<i32>} : memref<8192xi32, #tpu.memory_space<vmem>>, vector<16xi32>,
        tpu.vector_store %arg9[%swap3A_78], %broadcast_in_dim3A_12 {strides = array<i32>} : memref<8192xi32, #tpu.memory_space<vmem>>, vector<16xi32>,
        %mul3A_80 = arith.constant 16 : i32
        %mul3A_81 = arith.muli %scan3A_71, %mul3A_80 : i32
        %swap3A_82 = arith.index_cast %mul3A_81 : i32 to index
        %swap3A_83 = tpu.vector_load %arg10[%swap3A_82] {strides = array<i32>} : memref<4096xi32, #tpu.memory_space<vmem>>, vector<16xi32>,
        tpu.vector_store %arg10[%swap3A_82], %broadcast_in_dim3A_12 {strides = array<i32>} : memref<4096xi32, #tpu.memory_space<vmem>>, vector<16xi32>,
        %scan3A_84 = arith.constant 0 : i32
        scf.yield %scan3A_84 : i32
      }
      %scan3A_21 = arith.constant 256 : i32
      %scan3A_22 = arith.constant 0 : i32
      %scan3A_23 = arith.constant 256 : i32
      %scan3A_24 = arith.constant 256 : i32
      %scan3A_25 = arith.addi %scan3A_23, %scan3A_24 : i32
      %scan3A_26 = arith.constant 1 : i32
      %scan3A_27 = scf.for %scan3A_71 = %scan3A_23 to %scan3A_25 step %scan3A_26 iter_args(%scan3A_72 = %scan3A_22) -> (i32)  : i32 {
        %mul3A_73 = arith.constant 16 : i32
        %mul3A_74 = arith.muli %scan3A_71, %mul3A_73 : i32
        %swap3A = arith.index_cast %mul3A_74 : i32 to index
        %swap3A_75 = tpu.vector_load %arg8[%swap3A] {strides = array<i32>} : memref<8192xi32, #tpu.memory_space<vmem>>, vector<16xi32>,
        tpu.vector_store %arg8[%swap3A], %broadcast_in_dim3A_12 {strides = array<i32>} : memref<8192xi32, #tpu.memory_space<vmem>>, vector<16xi32>,
        %mul3A_76 = arith.constant 16 : i32
        %mul3A_77 = arith.muli %scan3A_71, %mul3A_76 : i32
        %swap3A_78 = arith.index_cast %mul3A_77 : i32 to index
        %swap3A_79 = tpu.vector_load %arg9[%swap3A_78] {strides = array<i32>} : memref<8192xi32, #tpu.memory_space<vmem>>, vector<16xi32>,
        tpu.vector_store %arg9[%swap3A_78], %broadcast_in_dim3A_12 {strides = array<i32>} : memref<8192xi32, #tpu.memory_space<vmem>>, vector<16xi32>,
        %scan3A_80 = arith.constant 0 : i32
        scf.yield %scan3A_80 : i32
      }
      %scan3A_28 = arith.constant 256 : i32
      %parallel_loop3A = arith.constant 0 : i32
      %parallel_loop3A_29 = arith.constant 512 : i32
      %parallel_loop3A_30 = arith.constant 1 : i32
      scf.for %parallel_loop3A_71 = %parallel_loop3A to %parallel_loop3A_29 step %parallel_loop3A_30  : i32 {
        %parallel_loop3A_72 = arith.constant 16 : i32
        %parallel_loop3A_73 = arith.muli %parallel_loop3A_71, %parallel_loop3A_72 : i32
        %parallel_loop3A_74 = arith.constant 0 : i32
        %parallel_loop3A_75 = arith.addi %parallel_loop3A_74, %parallel_loop3A_73 : i32
        %parallel_loop3A_76 = arith.index_cast %parallel_loop3A_75 : i32 to index
        %parallel_loop3A_77 = tpu.vector_load %arg5[%parallel_loop3A_76] {strides = array<i32>} : memref<32768xf32, #tpu.memory_space<vmem>>, vector<16xf32>,
        %parallel_loop3A_78 = vector.bitcast %parallel_loop3A_77 : vector<16xf32> to vector<16xi32>
        %parallel_loop3A_79 = arith.constant 0 : i32
        %parallel_loop3A_80 = vector.broadcast %parallel_loop3A_79 : i32 to vector<16xi32>
        %parallel_loop3A_81 = arith.cmpi slt, %parallel_loop3A_78, %parallel_loop3A_80 : vector<16xi32>
        %parallel_loop3A_82 = arith.constant dense<-1> : vector<16xi32>
        %parallel_loop3A_83 = arith.xori %parallel_loop3A_78, %parallel_loop3A_82 : vector<16xi32>
        %parallel_loop3A_84 = arith.constant -2147483648 : i32
        %parallel_loop3A_85 = vector.broadcast %parallel_loop3A_84 : i32 to vector<16xi32>
        %parallel_loop3A_86 = arith.ori %parallel_loop3A_78, %parallel_loop3A_85 : vector<16xi32>
        %parallel_loop3A_87 = arith.select %parallel_loop3A_81, %parallel_loop3A_83, %parallel_loop3A_86 : vector<16xi1>, vector<16xi32>
        %parallel_loop3A_88 = arith.constant 2047 : i32
        %parallel_loop3A_89 = vector.broadcast %parallel_loop3A_88 : i32 to vector<16xi32>
        %parallel_loop3A_90 = arith.andi %parallel_loop3A_87, %parallel_loop3A_89 : vector<16xi32>
        %parallel_loop3A_91 = arith.constant 0 : i32
        %parallel_loop3A_92 = vector.broadcast %parallel_loop3A_91 : i32 to vector<16xi32>
        %parallel_loop3A_93 = arith.addi %parallel_loop3A_90, %parallel_loop3A_92 : vector<16xi32>
        %parallel_loop3A_94 = arith.constant 16 : i32
        %parallel_loop3A_95 = arith.muli %parallel_loop3A_71, %parallel_loop3A_94 : i32
        %parallel_loop3A_96 = arith.constant 8192 : i32
        %parallel_loop3A_97 = arith.addi %parallel_loop3A_96, %parallel_loop3A_95 : i32
        %parallel_loop3A_98 = arith.index_cast %parallel_loop3A_97 : i32 to index
        %parallel_loop3A_99 = tpu.vector_load %arg5[%parallel_loop3A_98] {strides = array<i32>} : memref<32768xf32, #tpu.memory_space<vmem>>, vector<16xf32>,
        %parallel_loop3A_100 = vector.bitcast %parallel_loop3A_99 : vector<16xf32> to vector<16xi32>
        %parallel_loop3A_101 = arith.constant 0 : i32
        %parallel_loop3A_102 = vector.broadcast %parallel_loop3A_101 : i32 to vector<16xi32>
        %parallel_loop3A_103 = arith.cmpi slt, %parallel_loop3A_100, %parallel_loop3A_102 : vector<16xi32>
        %parallel_loop3A_104 = arith.constant dense<-1> : vector<16xi32>
        %parallel_loop3A_105 = arith.xori %parallel_loop3A_100, %parallel_loop3A_104 : vector<16xi32>
        %parallel_loop3A_106 = arith.constant -2147483648 : i32
        %parallel_loop3A_107 = vector.broadcast %parallel_loop3A_106 : i32 to vector<16xi32>
        %parallel_loop3A_108 = arith.ori %parallel_loop3A_100, %parallel_loop3A_107 : vector<16xi32>
        %parallel_loop3A_109 = arith.select %parallel_loop3A_103, %parallel_loop3A_105, %parallel_loop3A_108 : vector<16xi1>, vector<16xi32>
        %parallel_loop3A_110 = arith.constant 2047 : i32
        %parallel_loop3A_111 = vector.broadcast %parallel_loop3A_110 : i32 to vector<16xi32>
        %parallel_loop3A_112 = arith.andi %parallel_loop3A_109, %parallel_loop3A_111 : vector<16xi32>
        %parallel_loop3A_113 = arith.constant 2048 : i32
        %parallel_loop3A_114 = vector.broadcast %parallel_loop3A_113 : i32 to vector<16xi32>
        %parallel_loop3A_115 = arith.addi %parallel_loop3A_112, %parallel_loop3A_114 : vector<16xi32>
        %parallel_loop3A_116 = arith.constant 16 : i32
        %parallel_loop3A_117 = arith.muli %parallel_loop3A_71, %parallel_loop3A_116 : i32
        %parallel_loop3A_118 = arith.constant 16384 : i32
        %parallel_loop3A_119 = arith.addi %parallel_loop3A_118, %parallel_loop3A_117 : i32
        %parallel_loop3A_120 = arith.index_cast %parallel_loop3A_119 : i32 to index
        %parallel_loop3A_121 = tpu.vector_load %arg5[%parallel_loop3A_120] {strides = array<i32>} : memref<32768xf32, #tpu.memory_space<vmem>>, vector<16xf32>,
        %parallel_loop3A_122 = vector.bitcast %parallel_loop3A_121 : vector<16xf32> to vector<16xi32>
        %parallel_loop3A_123 = arith.constant 0 : i32
        %parallel_loop3A_124 = vector.broadcast %parallel_loop3A_123 : i32 to vector<16xi32>
        %parallel_loop3A_125 = arith.cmpi slt, %parallel_loop3A_122, %parallel_loop3A_124 : vector<16xi32>
        %parallel_loop3A_126 = arith.constant dense<-1> : vector<16xi32>
        %parallel_loop3A_127 = arith.xori %parallel_loop3A_122, %parallel_loop3A_126 : vector<16xi32>
        %parallel_loop3A_128 = arith.constant -2147483648 : i32
        %parallel_loop3A_129 = vector.broadcast %parallel_loop3A_128 : i32 to vector<16xi32>
        %parallel_loop3A_130 = arith.ori %parallel_loop3A_122, %parallel_loop3A_129 : vector<16xi32>
        %parallel_loop3A_131 = arith.select %parallel_loop3A_125, %parallel_loop3A_127, %parallel_loop3A_130 : vector<16xi1>, vector<16xi32>
        %parallel_loop3A_132 = arith.constant 2047 : i32
        %parallel_loop3A_133 = vector.broadcast %parallel_loop3A_132 : i32 to vector<16xi32>
        %parallel_loop3A_134 = arith.andi %parallel_loop3A_131, %parallel_loop3A_133 : vector<16xi32>
        %parallel_loop3A_135 = arith.constant 4096 : i32
        %parallel_loop3A_136 = vector.broadcast %parallel_loop3A_135 : i32 to vector<16xi32>
        %parallel_loop3A_137 = arith.addi %parallel_loop3A_134, %parallel_loop3A_136 : vector<16xi32>
        %parallel_loop3A_138 = arith.constant 16 : i32
        %parallel_loop3A_139 = arith.muli %parallel_loop3A_71, %parallel_loop3A_138 : i32
        %parallel_loop3A_140 = arith.constant 24576 : i32
        %parallel_loop3A_141 = arith.addi %parallel_loop3A_140, %parallel_loop3A_139 : i32
        %parallel_loop3A_142 = arith.index_cast %parallel_loop3A_141 : i32 to index
        %parallel_loop3A_143 = tpu.vector_load %arg5[%parallel_loop3A_142] {strides = array<i32>} : memref<32768xf32, #tpu.memory_space<vmem>>, vector<16xf32>,
        %parallel_loop3A_144 = vector.bitcast %parallel_loop3A_143 : vector<16xf32> to vector<16xi32>
        %parallel_loop3A_145 = arith.constant 0 : i32
        %parallel_loop3A_146 = vector.broadcast %parallel_loop3A_145 : i32 to vector<16xi32>
        %parallel_loop3A_147 = arith.cmpi slt, %parallel_loop3A_144, %parallel_loop3A_146 : vector<16xi32>
        %parallel_loop3A_148 = arith.constant dense<-1> : vector<16xi32>
        %parallel_loop3A_149 = arith.xori %parallel_loop3A_144, %parallel_loop3A_148 : vector<16xi32>
        %parallel_loop3A_150 = arith.constant -2147483648 : i32
        %parallel_loop3A_151 = vector.broadcast %parallel_loop3A_150 : i32 to vector<16xi32>
        %parallel_loop3A_152 = arith.ori %parallel_loop3A_144, %parallel_loop3A_151 : vector<16xi32>
        %parallel_loop3A_153 = arith.select %parallel_loop3A_147, %parallel_loop3A_149, %parallel_loop3A_152 : vector<16xi1>, vector<16xi32>
        %parallel_loop3A_154 = arith.constant 2047 : i32
        %parallel_loop3A_155 = vector.broadcast %parallel_loop3A_154 : i32 to vector<16xi32>
        %parallel_loop3A_156 = arith.andi %parallel_loop3A_153, %parallel_loop3A_155 : vector<16xi32>
        %parallel_loop3A_157 = arith.constant 6144 : i32
        %parallel_loop3A_158 = vector.broadcast %parallel_loop3A_157 : i32 to vector<16xi32>
        %parallel_loop3A_159 = arith.addi %parallel_loop3A_156, %parallel_loop3A_158 : vector<16xi32>
        %parallel_loop3A_160 = vector.bitcast %parallel_loop3A_87 : vector<16xi32> to vector<16xf32>
        %parallel_loop3A_161 = arith.index_cast %parallel_loop3A_75 : i32 to index
        %parallel_loop3A_162 = tpu.vector_load %arg5[%parallel_loop3A_161] {strides = array<i32>} : memref<32768xf32, #tpu.memory_space<vmem>>, vector<16xf32>,
        tpu.vector_store %arg5[%parallel_loop3A_161], %parallel_loop3A_160 {strides = array<i32>} : memref<32768xf32, #tpu.memory_space<vmem>>, vector<16xf32>,
        tpu.vector_store_idx %arg8[%parallel_loop3A_93], %broadcast_in_dim3A_14 {add = true} : memref<8192xi32, #tpu.memory_space<vmem>>[vector<16xi32>], vector<16xi32>,
        %parallel_loop3A_163 = vector.bitcast %parallel_loop3A_109 : vector<16xi32> to vector<16xf32>
        %parallel_loop3A_164 = arith.index_cast %parallel_loop3A_97 : i32 to index
        %parallel_loop3A_165 = tpu.vector_load %arg5[%parallel_loop3A_164] {strides = array<i32>} : memref<32768xf32, #tpu.memory_space<vmem>>, vector<16xf32>,
        tpu.vector_store %arg5[%parallel_loop3A_164], %parallel_loop3A_163 {strides = array<i32>} : memref<32768xf32, #tpu.memory_space<vmem>>, vector<16xf32>,
        tpu.vector_store_idx %arg8[%parallel_loop3A_115], %broadcast_in_dim3A_14 {add = true} : memref<8192xi32, #tpu.memory_space<vmem>>[vector<16xi32>], vector<16xi32>,
        %parallel_loop3A_166 = vector.bitcast %parallel_loop3A_131 : vector<16xi32> to vector<16xf32>
        %parallel_loop3A_167 = arith.index_cast %parallel_loop3A_119 : i32 to index
        %parallel_loop3A_168 = tpu.vector_load %arg5[%parallel_loop3A_167] {strides = array<i32>} : memref<32768xf32, #tpu.memory_space<vmem>>, vector<16xf32>,
        tpu.vector_store %arg5[%parallel_loop3A_167], %parallel_loop3A_166 {strides = array<i32>} : memref<32768xf32, #tpu.memory_space<vmem>>, vector<16xf32>,
        tpu.vector_store_idx %arg8[%parallel_loop3A_137], %broadcast_in_dim3A_14 {add = true} : memref<8192xi32, #tpu.memory_space<vmem>>[vector<16xi32>], vector<16xi32>,
        %parallel_loop3A_169 = vector.bitcast %parallel_loop3A_153 : vector<16xi32> to vector<16xf32>
        %parallel_loop3A_170 = arith.index_cast %parallel_loop3A_141 : i32 to index
        %parallel_loop3A_171 = tpu.vector_load %arg5[%parallel_loop3A_170] {strides = array<i32>} : memref<32768xf32, #tpu.memory_space<vmem>>, vector<16xf32>,
        tpu.vector_store %arg5[%parallel_loop3A_170], %parallel_loop3A_169 {strides = array<i32>} : memref<32768xf32, #tpu.memory_space<vmem>>, vector<16xf32>,
        tpu.vector_store_idx %arg8[%parallel_loop3A_159], %broadcast_in_dim3A_14 {add = true} : memref<8192xi32, #tpu.memory_space<vmem>>[vector<16xi32>], vector<16xi32>,
      } {sc.loop_unroll_factor = 2 : i64, sc.parallel_access}
      %parallel_loop3A_31 = arith.constant 0 : i32
      %parallel_loop3A_32 = arith.constant 128 : i32
      %parallel_loop3A_33 = arith.constant 1 : i32
      %parallel_loop3A_34 = arith.constant 0 : i32
      %parallel_loop3A_35 = scf.for %parallel_loop3A_71 = %parallel_loop3A_31 to %parallel_loop3A_32 step %parallel_loop3A_33 iter_args(%parallel_loop3A_72 = %parallel_loop3A_34) -> (i32)  : i32 {
        %parallel_loop3A_73 = arith.constant 16 : i32
        %parallel_loop3A_74 = arith.muli %parallel_loop3A_71, %parallel_loop3A_73 : i32
        %parallel_loop3A_75 = arith.constant 0 : i32
        %parallel_loop3A_76 = arith.addi %parallel_loop3A_75, %parallel_loop3A_74 : i32
        %parallel_loop3A_77 = arith.index_cast %parallel_loop3A_76 : i32 to index
        %parallel_loop3A_78 = tpu.vector_load %arg8[%parallel_loop3A_77] {strides = array<i32>} : memref<8192xi32, #tpu.memory_space<vmem>>, vector<16xi32>,
        %parallel_loop3A_79 = arith.constant 16 : i32
        %parallel_loop3A_80 = arith.muli %parallel_loop3A_71, %parallel_loop3A_79 : i32
        %parallel_loop3A_81 = arith.constant 2048 : i32
        %parallel_loop3A_82 = arith.addi %parallel_loop3A_81, %parallel_loop3A_80 : i32
        %parallel_loop3A_83 = arith.index_cast %parallel_loop3A_82 : i32 to index
        %parallel_loop3A_84 = tpu.vector_load %arg8[%parallel_loop3A_83] {strides = array<i32>} : memref<8192xi32, #tpu.memory_space<vmem>>, vector<16xi32>,
        %parallel_loop3A_85 = arith.constant 16 : i32
        %parallel_loop3A_86 = arith.muli %parallel_loop3A_71, %parallel_loop3A_85 : i32
        %parallel_loop3A_87 = arith.constant 4096 : i32
        %parallel_loop3A_88 = arith.addi %parallel_loop3A_87, %parallel_loop3A_86 : i32
        %parallel_loop3A_89 = arith.index_cast %parallel_loop3A_88 : i32 to index
        %parallel_loop3A_90 = tpu.vector_load %arg8[%parallel_loop3A_89] {strides = array<i32>} : memref<8192xi32, #tpu.memory_space<vmem>>, vector<16xi32>,
        %parallel_loop3A_91 = arith.constant 16 : i32
        %parallel_loop3A_92 = arith.muli %parallel_loop3A_71, %parallel_loop3A_91 : i32
        %parallel_loop3A_93 = arith.constant 6144 : i32
        %parallel_loop3A_94 = arith.addi %parallel_loop3A_93, %parallel_loop3A_92 : i32
        %parallel_loop3A_95 = arith.index_cast %parallel_loop3A_94 : i32 to index
        %parallel_loop3A_96 = tpu.vector_load %arg8[%parallel_loop3A_95] {strides = array<i32>} : memref<8192xi32, #tpu.memory_space<vmem>>, vector<16xi32>,
        %parallel_loop3A_97 = arith.addi %parallel_loop3A_78, %parallel_loop3A_84 : vector<16xi32>
        %parallel_loop3A_98 = arith.addi %parallel_loop3A_97, %parallel_loop3A_90 : vector<16xi32>
        %parallel_loop3A_99 = arith.addi %parallel_loop3A_98, %parallel_loop3A_96 : vector<16xi32>
        %parallel_loop3A_100 = arith.constant true
        %parallel_loop3A_101 = vector.broadcast %parallel_loop3A_100 : i1 to vector<16xi1>
        %parallel_loop3A_102 = tpu.scan <sum>, %parallel_loop3A_99 masked %parallel_loop3A_101 : vector<16xi32>, vector<16xi1> -> vector<16xi32>
        %parallel_loop3A_103 = arith.subi %parallel_loop3A_102, %parallel_loop3A_99 : vector<16xi32>
        %parallel_loop3A_104 = vector.broadcast %parallel_loop3A_72 : i32 to vector<16xi32>
        %parallel_loop3A_105 = arith.addi %parallel_loop3A_103, %parallel_loop3A_104 : vector<16xi32>
        %parallel_loop3A_106 = arith.constant 16 : i32
        %parallel_loop3A_107 = arith.muli %parallel_loop3A_71, %parallel_loop3A_106 : i32
        %parallel_loop3A_108 = arith.constant 0 : i32
        %parallel_loop3A_109 = arith.addi %parallel_loop3A_108, %parallel_loop3A_107 : i32
        %parallel_loop3A_110 = arith.index_cast %parallel_loop3A_109 : i32 to index
        %parallel_loop3A_111 = tpu.vector_load %arg8[%parallel_loop3A_110] {strides = array<i32>} : memref<8192xi32, #tpu.memory_space<vmem>>, vector<16xi32>,
        tpu.vector_store %arg8[%parallel_loop3A_110], %parallel_loop3A_105 {strides = array<i32>} : memref<8192xi32, #tpu.memory_space<vmem>>, vector<16xi32>,
        %parallel_loop3A_112 = arith.addi %parallel_loop3A_105, %parallel_loop3A_78 : vector<16xi32>
        %parallel_loop3A_113 = arith.constant 16 : i32
        %parallel_loop3A_114 = arith.muli %parallel_loop3A_71, %parallel_loop3A_113 : i32
        %parallel_loop3A_115 = arith.constant 2048 : i32
        %parallel_loop3A_116 = arith.addi %parallel_loop3A_115, %parallel_loop3A_114 : i32
        %parallel_loop3A_117 = arith.index_cast %parallel_loop3A_116 : i32 to index
        %parallel_loop3A_118 = tpu.vector_load %arg8[%parallel_loop3A_117] {strides = array<i32>} : memref<8192xi32, #tpu.memory_space<vmem>>, vector<16xi32>,
        tpu.vector_store %arg8[%parallel_loop3A_117], %parallel_loop3A_112 {strides = array<i32>} : memref<8192xi32, #tpu.memory_space<vmem>>, vector<16xi32>,
        %parallel_loop3A_119 = arith.addi %parallel_loop3A_112, %parallel_loop3A_84 : vector<16xi32>
        %parallel_loop3A_120 = arith.constant 16 : i32
        %parallel_loop3A_121 = arith.muli %parallel_loop3A_71, %parallel_loop3A_120 : i32
        %parallel_loop3A_122 = arith.constant 4096 : i32
        %parallel_loop3A_123 = arith.addi %parallel_loop3A_122, %parallel_loop3A_121 : i32
        %parallel_loop3A_124 = arith.index_cast %parallel_loop3A_123 : i32 to index
        %parallel_loop3A_125 = tpu.vector_load %arg8[%parallel_loop3A_124] {strides = array<i32>} : memref<8192xi32, #tpu.memory_space<vmem>>, vector<16xi32>,
        tpu.vector_store %arg8[%parallel_loop3A_124], %parallel_loop3A_119 {strides = array<i32>} : memref<8192xi32, #tpu.memory_space<vmem>>, vector<16xi32>,
        %parallel_loop3A_126 = arith.addi %parallel_loop3A_119, %parallel_loop3A_90 : vector<16xi32>
        %parallel_loop3A_127 = arith.constant 16 : i32
        %parallel_loop3A_128 = arith.muli %parallel_loop3A_71, %parallel_loop3A_127 : i32
        %parallel_loop3A_129 = arith.constant 6144 : i32
        %parallel_loop3A_130 = arith.addi %parallel_loop3A_129, %parallel_loop3A_128 : i32
        %parallel_loop3A_131 = arith.index_cast %parallel_loop3A_130 : i32 to index
        %parallel_loop3A_132 = tpu.vector_load %arg8[%parallel_loop3A_131] {strides = array<i32>} : memref<8192xi32, #tpu.memory_space<vmem>>, vector<16xi32>,
        tpu.vector_store %arg8[%parallel_loop3A_131], %parallel_loop3A_126 {strides = array<i32>} : memref<8192xi32, #tpu.memory_space<vmem>>, vector<16xi32>,
        %parallel_loop3A_133 = arith.addi %parallel_loop3A_126, %parallel_loop3A_96 : vector<16xi32>
        %parallel_loop3A_134 = arith.constant true
        %parallel_loop3A_135 = vector.broadcast %parallel_loop3A_134 : i1 to vector<16xi1>
        %parallel_loop3A_136 = tpu.scan <sum>, %parallel_loop3A_99 masked %parallel_loop3A_135 : vector<16xi32>, vector<16xi1> -> vector<16xi32>
        %parallel_loop3A_137 = vector.extract %parallel_loop3A_136[15] : i32 from vector<16xi32>
        %parallel_loop3A_138 = arith.addi %parallel_loop3A_72, %parallel_loop3A_137 : i32
        scf.yield %parallel_loop3A_138 : i32
      } {sc.loop_unroll_factor = 2 : i64, sc.parallel_access}
      %scan3A_36 = arith.constant 0 : i32
      %scan3A_37 = arith.constant 0 : i32
      %scan3A_38 = arith.constant 512 : i32
      %scan3A_39 = arith.addi %scan3A_37, %scan3A_38 : i32
      %scan3A_40 = arith.constant 1 : i32
      %scan3A_41 = scf.for %scan3A_71 = %scan3A_37 to %scan3A_39 step %scan3A_40 iter_args(%scan3A_72 = %scan3A_36) -> (i32)  : i32 {
        %mul3A_73 = arith.constant 16 : i32
        %mul3A_74 = arith.muli %scan3A_71, %mul3A_73 : i32
        %add3A_75 = arith.constant 0 : i32
        %add3A_76 = arith.addi %add3A_75, %mul3A_74 : i32
        %iota3A = tpu.iota {dimensions = array<i32: 0>} : vector<16xi32>
        %add3A_77 = vector.broadcast %add3A_76 : i32 to vector<16xi32>
        %add3A_78 = arith.addi %iota3A, %add3A_77 : vector<16xi32>
        %get3A = arith.index_cast %add3A_76 : i32 to index
        %get3A_79 = tpu.vector_load %arg5[%get3A] {strides = array<i32>} : memref<32768xf32, #tpu.memory_space<vmem>>, vector<16xf32>,
        %bitcast3A = vector.bitcast %get3A_79 : vector<16xf32> to vector<16xi32>
        %and3A = arith.constant 2047 : i32
        %and3A_80 = vector.broadcast %and3A : i32 to vector<16xi32>
        %and3A_81 = arith.andi %bitcast3A, %and3A_80 : vector<16xi32>
        %add3A_82 = arith.constant 0 : i32
        %add3A_83 = vector.broadcast %add3A_82 : i32 to vector<16xi32>
        %add3A_84 = arith.addi %and3A_81, %add3A_83 : vector<16xi32>
        %broadcast_in_dim3A_85 = arith.constant true
        %broadcast_in_dim3A_86 = vector.broadcast %broadcast_in_dim3A_85 : i1 to vector<16xi1>
        %unique3A, %unique3A_87 = tpu.scan_count mask(%broadcast_in_dim3A_86 : vector<16xi1>) value(%add3A_84 : vector<16xi32>) : vector<16xi1>, vector<16xi32>
        %gather3A = tpu.vector_load_idx %arg8[%add3A_84] : memref<8192xi32, #tpu.memory_space<vmem>>[vector<16xi32>], vector<16xi32>,
        %mul3A_88 = arith.constant 16 : i32
        %mul3A_89 = arith.muli %scan3A_71, %mul3A_88 : i32
        %add3A_90 = arith.constant 8192 : i32
        %add3A_91 = arith.addi %add3A_90, %mul3A_89 : i32
        %iota3A_92 = tpu.iota {dimensions = array<i32: 0>} : vector<16xi32>
        %add3A_93 = vector.broadcast %add3A_91 : i32 to vector<16xi32>
        %add3A_94 = arith.addi %iota3A_92, %add3A_93 : vector<16xi32>
        %get3A_95 = arith.index_cast %add3A_91 : i32 to index
        %get3A_96 = tpu.vector_load %arg5[%get3A_95] {strides = array<i32>} : memref<32768xf32, #tpu.memory_space<vmem>>, vector<16xf32>,
        %bitcast3A_97 = vector.bitcast %get3A_96 : vector<16xf32> to vector<16xi32>
        %and3A_98 = arith.constant 2047 : i32
        %and3A_99 = vector.broadcast %and3A_98 : i32 to vector<16xi32>
        %and3A_100 = arith.andi %bitcast3A_97, %and3A_99 : vector<16xi32>
        %add3A_101 = arith.constant 2048 : i32
        %add3A_102 = vector.broadcast %add3A_101 : i32 to vector<16xi32>
        %add3A_103 = arith.addi %and3A_100, %add3A_102 : vector<16xi32>
        %broadcast_in_dim3A_104 = arith.constant true
        %broadcast_in_dim3A_105 = vector.broadcast %broadcast_in_dim3A_104 : i1 to vector<16xi1>
        %unique3A_106, %unique3A_107 = tpu.scan_count mask(%broadcast_in_dim3A_105 : vector<16xi1>) value(%add3A_103 : vector<16xi32>) : vector<16xi1>, vector<16xi32>
        %gather3A_108 = tpu.vector_load_idx %arg8[%add3A_103] : memref<8192xi32, #tpu.memory_space<vmem>>[vector<16xi32>], vector<16xi32>,
        %mul3A_109 = arith.constant 16 : i32
        %mul3A_110 = arith.muli %scan3A_71, %mul3A_109 : i32
        %add3A_111 = arith.constant 16384 : i32
        %add3A_112 = arith.addi %add3A_111, %mul3A_110 : i32
        %iota3A_113 = tpu.iota {dimensions = array<i32: 0>} : vector<16xi32>
        %add3A_114 = vector.broadcast %add3A_112 : i32 to vector<16xi32>
        %add3A_115 = arith.addi %iota3A_113, %add3A_114 : vector<16xi32>
        %get3A_116 = arith.index_cast %add3A_112 : i32 to index
        %get3A_117 = tpu.vector_load %arg5[%get3A_116] {strides = array<i32>} : memref<32768xf32, #tpu.memory_space<vmem>>, vector<16xf32>,
        %bitcast3A_118 = vector.bitcast %get3A_117 : vector<16xf32> to vector<16xi32>
        %and3A_119 = arith.constant 2047 : i32
        %and3A_120 = vector.broadcast %and3A_119 : i32 to vector<16xi32>
        %and3A_121 = arith.andi %bitcast3A_118, %and3A_120 : vector<16xi32>
        %add3A_122 = arith.constant 4096 : i32
        %add3A_123 = vector.broadcast %add3A_122 : i32 to vector<16xi32>
        %add3A_124 = arith.addi %and3A_121, %add3A_123 : vector<16xi32>
        %broadcast_in_dim3A_125 = arith.constant true
        %broadcast_in_dim3A_126 = vector.broadcast %broadcast_in_dim3A_125 : i1 to vector<16xi1>
        %unique3A_127, %unique3A_128 = tpu.scan_count mask(%broadcast_in_dim3A_126 : vector<16xi1>) value(%add3A_124 : vector<16xi32>) : vector<16xi1>, vector<16xi32>
        %gather3A_129 = tpu.vector_load_idx %arg8[%add3A_124] : memref<8192xi32, #tpu.memory_space<vmem>>[vector<16xi32>], vector<16xi32>,
        %mul3A_130 = arith.constant 16 : i32
        %mul3A_131 = arith.muli %scan3A_71, %mul3A_130 : i32
        %add3A_132 = arith.constant 24576 : i32
        %add3A_133 = arith.addi %add3A_132, %mul3A_131 : i32
        %iota3A_134 = tpu.iota {dimensions = array<i32: 0>} : vector<16xi32>
        %add3A_135 = vector.broadcast %add3A_133 : i32 to vector<16xi32>
        %add3A_136 = arith.addi %iota3A_134, %add3A_135 : vector<16xi32>
        %get3A_137 = arith.index_cast %add3A_133 : i32 to index
        %get3A_138 = tpu.vector_load %arg5[%get3A_137] {strides = array<i32>} : memref<32768xf32, #tpu.memory_space<vmem>>, vector<16xf32>,
        %bitcast3A_139 = vector.bitcast %get3A_138 : vector<16xf32> to vector<16xi32>
        %and3A_140 = arith.constant 2047 : i32
        %and3A_141 = vector.broadcast %and3A_140 : i32 to vector<16xi32>
        %and3A_142 = arith.andi %bitcast3A_139, %and3A_141 : vector<16xi32>
        %add3A_143 = arith.constant 6144 : i32
        %add3A_144 = vector.broadcast %add3A_143 : i32 to vector<16xi32>
        %add3A_145 = arith.addi %and3A_142, %add3A_144 : vector<16xi32>
        %broadcast_in_dim3A_146 = arith.constant true
        %broadcast_in_dim3A_147 = vector.broadcast %broadcast_in_dim3A_146 : i1 to vector<16xi1>
        %unique3A_148, %unique3A_149 = tpu.scan_count mask(%broadcast_in_dim3A_147 : vector<16xi1>) value(%add3A_145 : vector<16xi32>) : vector<16xi1>, vector<16xi32>
        %gather3A_150 = tpu.vector_load_idx %arg8[%add3A_145] : memref<8192xi32, #tpu.memory_space<vmem>>[vector<16xi32>], vector<16xi32>,
        tpu.vector_store_idx %arg8[%add3A_84], %broadcast_in_dim3A_14 {add = true} : memref<8192xi32, #tpu.memory_space<vmem>>[vector<16xi32>], vector<16xi32>,
        %add3A_151 = arith.addi %gather3A, %unique3A_87 : vector<16xi32>
        %sub3A = arith.constant 1 : i32
        %sub3A_152 = vector.broadcast %sub3A : i32 to vector<16xi32>
        %sub3A_153 = arith.subi %add3A_151, %sub3A_152 : vector<16xi32>
        tpu.vector_store_idx %arg6[%sub3A_153], %add3A_78 : memref<32768xi32, #tpu.memory_space<vmem>>[vector<16xi32>], vector<16xi32>,
        %shift_right_logical3A = arith.constant 11 : i32
        %shift_right_logical3A_154 = vector.broadcast %shift_right_logical3A : i32 to vector<16xi32>
        %shift_right_logical3A_155 = arith.shrui %bitcast3A, %shift_right_logical3A_154 : vector<16xi32>
        %and3A_156 = arith.constant 2047 : i32
        %and3A_157 = vector.broadcast %and3A_156 : i32 to vector<16xi32>
        %and3A_158 = arith.andi %shift_right_logical3A_155, %and3A_157 : vector<16xi32>
        %shift_right_logical3A_159 = arith.constant 13 : i32
        %shift_right_logical3A_160 = vector.broadcast %shift_right_logical3A_159 : i32 to vector<16xi32>
        %shift_right_logical3A_161 = arith.shrui %sub3A_153, %shift_right_logical3A_160 : vector<16xi32>
        %shift_left3A = arith.constant 11 : i32
        %shift_left3A_162 = vector.broadcast %shift_left3A : i32 to vector<16xi32>
        %shift_left3A_163 = arith.shli %shift_right_logical3A_161, %shift_left3A_162 : vector<16xi32>
        %add3A_164 = arith.addi %and3A_158, %shift_left3A_163 : vector<16xi32>
        tpu.vector_store_idx %arg9[%add3A_164], %broadcast_in_dim3A_14 {add = true} : memref<8192xi32, #tpu.memory_space<vmem>>[vector<16xi32>], vector<16xi32>,
        tpu.vector_store_idx %arg8[%add3A_103], %broadcast_in_dim3A_14 {add = true} : memref<8192xi32, #tpu.memory_space<vmem>>[vector<16xi32>], vector<16xi32>,
        %add3A_165 = arith.addi %gather3A_108, %unique3A_107 : vector<16xi32>
        %sub3A_166 = arith.constant 1 : i32
        %sub3A_167 = vector.broadcast %sub3A_166 : i32 to vector<16xi32>
        %sub3A_168 = arith.subi %add3A_165, %sub3A_167 : vector<16xi32>
        tpu.vector_store_idx %arg6[%sub3A_168], %add3A_94 : memref<32768xi32, #tpu.memory_space<vmem>>[vector<16xi32>], vector<16xi32>,
        %shift_right_logical3A_169 = arith.constant 11 : i32
        %shift_right_logical3A_170 = vector.broadcast %shift_right_logical3A_169 : i32 to vector<16xi32>
        %shift_right_logical3A_171 = arith.shrui %bitcast3A_97, %shift_right_logical3A_170 : vector<16xi32>
        %and3A_172 = arith.constant 2047 : i32
        %and3A_173 = vector.broadcast %and3A_172 : i32 to vector<16xi32>
        %and3A_174 = arith.andi %shift_right_logical3A_171, %and3A_173 : vector<16xi32>
        %shift_right_logical3A_175 = arith.constant 13 : i32
        %shift_right_logical3A_176 = vector.broadcast %shift_right_logical3A_175 : i32 to vector<16xi32>
        %shift_right_logical3A_177 = arith.shrui %sub3A_168, %shift_right_logical3A_176 : vector<16xi32>
        %shift_left3A_178 = arith.constant 11 : i32
        %shift_left3A_179 = vector.broadcast %shift_left3A_178 : i32 to vector<16xi32>
        %shift_left3A_180 = arith.shli %shift_right_logical3A_177, %shift_left3A_179 : vector<16xi32>
        %add3A_181 = arith.addi %and3A_174, %shift_left3A_180 : vector<16xi32>
        tpu.vector_store_idx %arg9[%add3A_181], %broadcast_in_dim3A_14 {add = true} : memref<8192xi32, #tpu.memory_space<vmem>>[vector<16xi32>], vector<16xi32>,
        tpu.vector_store_idx %arg8[%add3A_124], %broadcast_in_dim3A_14 {add = true} : memref<8192xi32, #tpu.memory_space<vmem>>[vector<16xi32>], vector<16xi32>,
        %add3A_182 = arith.addi %gather3A_129, %unique3A_128 : vector<16xi32>
        %sub3A_183 = arith.constant 1 : i32
        %sub3A_184 = vector.broadcast %sub3A_183 : i32 to vector<16xi32>
        %sub3A_185 = arith.subi %add3A_182, %sub3A_184 : vector<16xi32>
        tpu.vector_store_idx %arg6[%sub3A_185], %add3A_115 : memref<32768xi32, #tpu.memory_space<vmem>>[vector<16xi32>], vector<16xi32>,
        %shift_right_logical3A_186 = arith.constant 11 : i32
        %shift_right_logical3A_187 = vector.broadcast %shift_right_logical3A_186 : i32 to vector<16xi32>
        %shift_right_logical3A_188 = arith.shrui %bitcast3A_118, %shift_right_logical3A_187 : vector<16xi32>
        %and3A_189 = arith.constant 2047 : i32
        %and3A_190 = vector.broadcast %and3A_189 : i32 to vector<16xi32>
        %and3A_191 = arith.andi %shift_right_logical3A_188, %and3A_190 : vector<16xi32>
        %shift_right_logical3A_192 = arith.constant 13 : i32
        %shift_right_logical3A_193 = vector.broadcast %shift_right_logical3A_192 : i32 to vector<16xi32>
        %shift_right_logical3A_194 = arith.shrui %sub3A_185, %shift_right_logical3A_193 : vector<16xi32>
        %shift_left3A_195 = arith.constant 11 : i32
        %shift_left3A_196 = vector.broadcast %shift_left3A_195 : i32 to vector<16xi32>
        %shift_left3A_197 = arith.shli %shift_right_logical3A_194, %shift_left3A_196 : vector<16xi32>
        %add3A_198 = arith.addi %and3A_191, %shift_left3A_197 : vector<16xi32>
        tpu.vector_store_idx %arg9[%add3A_198], %broadcast_in_dim3A_14 {add = true} : memref<8192xi32, #tpu.memory_space<vmem>>[vector<16xi32>], vector<16xi32>,
        tpu.vector_store_idx %arg8[%add3A_145], %broadcast_in_dim3A_14 {add = true} : memref<8192xi32, #tpu.memory_space<vmem>>[vector<16xi32>], vector<16xi32>,
        %add3A_199 = arith.addi %gather3A_150, %unique3A_149 : vector<16xi32>
        %sub3A_200 = arith.constant 1 : i32
        %sub3A_201 = vector.broadcast %sub3A_200 : i32 to vector<16xi32>
        %sub3A_202 = arith.subi %add3A_199, %sub3A_201 : vector<16xi32>
        tpu.vector_store_idx %arg6[%sub3A_202], %add3A_136 : memref<32768xi32, #tpu.memory_space<vmem>>[vector<16xi32>], vector<16xi32>,
        %shift_right_logical3A_203 = arith.constant 11 : i32
        %shift_right_logical3A_204 = vector.broadcast %shift_right_logical3A_203 : i32 to vector<16xi32>
        %shift_right_logical3A_205 = arith.shrui %bitcast3A_139, %shift_right_logical3A_204 : vector<16xi32>
        %and3A_206 = arith.constant 2047 : i32
        %and3A_207 = vector.broadcast %and3A_206 : i32 to vector<16xi32>
        %and3A_208 = arith.andi %shift_right_logical3A_205, %and3A_207 : vector<16xi32>
        %shift_right_logical3A_209 = arith.constant 13 : i32
        %shift_right_logical3A_210 = vector.broadcast %shift_right_logical3A_209 : i32 to vector<16xi32>
        %shift_right_logical3A_211 = arith.shrui %sub3A_202, %shift_right_logical3A_210 : vector<16xi32>
        %shift_left3A_212 = arith.constant 11 : i32
        %shift_left3A_213 = vector.broadcast %shift_left3A_212 : i32 to vector<16xi32>
        %shift_left3A_214 = arith.shli %shift_right_logical3A_211, %shift_left3A_213 : vector<16xi32>
        %add3A_215 = arith.addi %and3A_208, %shift_left3A_214 : vector<16xi32>
        tpu.vector_store_idx %arg9[%add3A_215], %broadcast_in_dim3A_14 {add = true} : memref<8192xi32, #tpu.memory_space<vmem>>[vector<16xi32>], vector<16xi32>,
        %scan3A_216 = arith.constant 0 : i32
        scf.yield %scan3A_216 : i32
      }
      %scan3A_42 = arith.constant 512 : i32
      %parallel_loop3A_43 = arith.constant 0 : i32
      %parallel_loop3A_44 = arith.constant 128 : i32
      %parallel_loop3A_45 = arith.constant 1 : i32
      %parallel_loop3A_46 = arith.constant 0 : i32
      %parallel_loop3A_47 = scf.for %parallel_loop3A_71 = %parallel_loop3A_43 to %parallel_loop3A_44 step %parallel_loop3A_45 iter_args(%parallel_loop3A_72 = %parallel_loop3A_46) -> (i32)  : i32 {
        %parallel_loop3A_73 = arith.constant 16 : i32
        %parallel_loop3A_74 = arith.muli %parallel_loop3A_71, %parallel_loop3A_73 : i32
        %parallel_loop3A_75 = arith.constant 0 : i32
        %parallel_loop3A_76 = arith.addi %parallel_loop3A_75, %parallel_loop3A_74 : i32
        %parallel_loop3A_77 = arith.index_cast %parallel_loop3A_76 : i32 to index
        %parallel_loop3A_78 = tpu.vector_load %arg9[%parallel_loop3A_77] {strides = array<i32>} : memref<8192xi32, #tpu.memory_space<vmem>>, vector<16xi32>,
        %parallel_loop3A_79 = arith.constant 16 : i32
        %parallel_loop3A_80 = arith.muli %parallel_loop3A_71, %parallel_loop3A_79 : i32
        %parallel_loop3A_81 = arith.constant 2048 : i32
        %parallel_loop3A_82 = arith.addi %parallel_loop3A_81, %parallel_loop3A_80 : i32
        %parallel_loop3A_83 = arith.index_cast %parallel_loop3A_82 : i32 to index
        %parallel_loop3A_84 = tpu.vector_load %arg9[%parallel_loop3A_83] {strides = array<i32>} : memref<8192xi32, #tpu.memory_space<vmem>>, vector<16xi32>,
        %parallel_loop3A_85 = arith.constant 16 : i32
        %parallel_loop3A_86 = arith.muli %parallel_loop3A_71, %parallel_loop3A_85 : i32
        %parallel_loop3A_87 = arith.constant 4096 : i32
        %parallel_loop3A_88 = arith.addi %parallel_loop3A_87, %parallel_loop3A_86 : i32
        %parallel_loop3A_89 = arith.index_cast %parallel_loop3A_88 : i32 to index
        %parallel_loop3A_90 = tpu.vector_load %arg9[%parallel_loop3A_89] {strides = array<i32>} : memref<8192xi32, #tpu.memory_space<vmem>>, vector<16xi32>,
        %parallel_loop3A_91 = arith.constant 16 : i32
        %parallel_loop3A_92 = arith.muli %parallel_loop3A_71, %parallel_loop3A_91 : i32
        %parallel_loop3A_93 = arith.constant 6144 : i32
        %parallel_loop3A_94 = arith.addi %parallel_loop3A_93, %parallel_loop3A_92 : i32
        %parallel_loop3A_95 = arith.index_cast %parallel_loop3A_94 : i32 to index
        %parallel_loop3A_96 = tpu.vector_load %arg9[%parallel_loop3A_95] {strides = array<i32>} : memref<8192xi32, #tpu.memory_space<vmem>>, vector<16xi32>,
        %parallel_loop3A_97 = arith.addi %parallel_loop3A_78, %parallel_loop3A_84 : vector<16xi32>
        %parallel_loop3A_98 = arith.addi %parallel_loop3A_97, %parallel_loop3A_90 : vector<16xi32>
        %parallel_loop3A_99 = arith.addi %parallel_loop3A_98, %parallel_loop3A_96 : vector<16xi32>
        %parallel_loop3A_100 = arith.constant true
        %parallel_loop3A_101 = vector.broadcast %parallel_loop3A_100 : i1 to vector<16xi1>
        %parallel_loop3A_102 = tpu.scan <sum>, %parallel_loop3A_99 masked %parallel_loop3A_101 : vector<16xi32>, vector<16xi1> -> vector<16xi32>
        %parallel_loop3A_103 = arith.subi %parallel_loop3A_102, %parallel_loop3A_99 : vector<16xi32>
        %parallel_loop3A_104 = vector.broadcast %parallel_loop3A_72 : i32 to vector<16xi32>
        %parallel_loop3A_105 = arith.addi %parallel_loop3A_103, %parallel_loop3A_104 : vector<16xi32>
        %parallel_loop3A_106 = arith.constant 16 : i32
        %parallel_loop3A_107 = arith.muli %parallel_loop3A_71, %parallel_loop3A_106 : i32
        %parallel_loop3A_108 = arith.constant 0 : i32
        %parallel_loop3A_109 = arith.addi %parallel_loop3A_108, %parallel_loop3A_107 : i32
        %parallel_loop3A_110 = arith.index_cast %parallel_loop3A_109 : i32 to index
        %parallel_loop3A_111 = tpu.vector_load %arg9[%parallel_loop3A_110] {strides = array<i32>} : memref<8192xi32, #tpu.memory_space<vmem>>, vector<16xi32>,
        tpu.vector_store %arg9[%parallel_loop3A_110], %parallel_loop3A_105 {strides = array<i32>} : memref<8192xi32, #tpu.memory_space<vmem>>, vector<16xi32>,
        %parallel_loop3A_112 = arith.addi %parallel_loop3A_105, %parallel_loop3A_78 : vector<16xi32>
        %parallel_loop3A_113 = arith.constant 16 : i32
        %parallel_loop3A_114 = arith.muli %parallel_loop3A_71, %parallel_loop3A_113 : i32
        %parallel_loop3A_115 = arith.constant 2048 : i32
        %parallel_loop3A_116 = arith.addi %parallel_loop3A_115, %parallel_loop3A_114 : i32
        %parallel_loop3A_117 = arith.index_cast %parallel_loop3A_116 : i32 to index
        %parallel_loop3A_118 = tpu.vector_load %arg9[%parallel_loop3A_117] {strides = array<i32>} : memref<8192xi32, #tpu.memory_space<vmem>>, vector<16xi32>,
        tpu.vector_store %arg9[%parallel_loop3A_117], %parallel_loop3A_112 {strides = array<i32>} : memref<8192xi32, #tpu.memory_space<vmem>>, vector<16xi32>,
        %parallel_loop3A_119 = arith.addi %parallel_loop3A_112, %parallel_loop3A_84 : vector<16xi32>
        %parallel_loop3A_120 = arith.constant 16 : i32
        %parallel_loop3A_121 = arith.muli %parallel_loop3A_71, %parallel_loop3A_120 : i32
        %parallel_loop3A_122 = arith.constant 4096 : i32
        %parallel_loop3A_123 = arith.addi %parallel_loop3A_122, %parallel_loop3A_121 : i32
        %parallel_loop3A_124 = arith.index_cast %parallel_loop3A_123 : i32 to index
        %parallel_loop3A_125 = tpu.vector_load %arg9[%parallel_loop3A_124] {strides = array<i32>} : memref<8192xi32, #tpu.memory_space<vmem>>, vector<16xi32>,
        tpu.vector_store %arg9[%parallel_loop3A_124], %parallel_loop3A_119 {strides = array<i32>} : memref<8192xi32, #tpu.memory_space<vmem>>, vector<16xi32>,
        %parallel_loop3A_126 = arith.addi %parallel_loop3A_119, %parallel_loop3A_90 : vector<16xi32>
        %parallel_loop3A_127 = arith.constant 16 : i32
        %parallel_loop3A_128 = arith.muli %parallel_loop3A_71, %parallel_loop3A_127 : i32
        %parallel_loop3A_129 = arith.constant 6144 : i32
        %parallel_loop3A_130 = arith.addi %parallel_loop3A_129, %parallel_loop3A_128 : i32
        %parallel_loop3A_131 = arith.index_cast %parallel_loop3A_130 : i32 to index
        %parallel_loop3A_132 = tpu.vector_load %arg9[%parallel_loop3A_131] {strides = array<i32>} : memref<8192xi32, #tpu.memory_space<vmem>>, vector<16xi32>,
        tpu.vector_store %arg9[%parallel_loop3A_131], %parallel_loop3A_126 {strides = array<i32>} : memref<8192xi32, #tpu.memory_space<vmem>>, vector<16xi32>,
        %parallel_loop3A_133 = arith.addi %parallel_loop3A_126, %parallel_loop3A_96 : vector<16xi32>
        %parallel_loop3A_134 = arith.constant true
        %parallel_loop3A_135 = vector.broadcast %parallel_loop3A_134 : i1 to vector<16xi1>
        %parallel_loop3A_136 = tpu.scan <sum>, %parallel_loop3A_99 masked %parallel_loop3A_135 : vector<16xi32>, vector<16xi1> -> vector<16xi32>
        %parallel_loop3A_137 = vector.extract %parallel_loop3A_136[15] : i32 from vector<16xi32>
        %parallel_loop3A_138 = arith.addi %parallel_loop3A_72, %parallel_loop3A_137 : i32
        scf.yield %parallel_loop3A_138 : i32
      } {sc.loop_unroll_factor = 2 : i64, sc.parallel_access}
      %scan3A_48 = arith.constant 0 : i32
      %scan3A_49 = arith.constant 0 : i32
      %scan3A_50 = arith.constant 512 : i32
      %scan3A_51 = arith.addi %scan3A_49, %scan3A_50 : i32
      %scan3A_52 = arith.constant 1 : i32
      %scan3A_53 = scf.for %scan3A_71 = %scan3A_49 to %scan3A_51 step %scan3A_52 iter_args(%scan3A_72 = %scan3A_48) -> (i32)  : i32 {
        %mul3A_73 = arith.constant 16 : i32
        %mul3A_74 = arith.muli %scan3A_71, %mul3A_73 : i32
        %add3A_75 = arith.constant 0 : i32
        %add3A_76 = arith.addi %add3A_75, %mul3A_74 : i32
        %get3A = arith.index_cast %add3A_76 : i32 to index
        %get3A_77 = tpu.vector_load %arg6[%get3A] {strides = array<i32>} : memref<32768xi32, #tpu.memory_space<vmem>>, vector<16xi32>,
        %gather3A = tpu.vector_load_idx %arg5[%get3A_77] : memref<32768xf32, #tpu.memory_space<vmem>>[vector<16xi32>], vector<16xf32>,
        %bitcast3A = vector.bitcast %gather3A : vector<16xf32> to vector<16xi32>
        %shift_right_logical3A = arith.constant 11 : i32
        %shift_right_logical3A_78 = vector.broadcast %shift_right_logical3A : i32 to vector<16xi32>
        %shift_right_logical3A_79 = arith.shrui %bitcast3A, %shift_right_logical3A_78 : vector<16xi32>
        %and3A = arith.constant 2047 : i32
        %and3A_80 = vector.broadcast %and3A : i32 to vector<16xi32>
        %and3A_81 = arith.andi %shift_right_logical3A_79, %and3A_80 : vector<16xi32>
        %add3A_82 = arith.constant 0 : i32
        %add3A_83 = vector.broadcast %add3A_82 : i32 to vector<16xi32>
        %add3A_84 = arith.addi %and3A_81, %add3A_83 : vector<16xi32>
        %broadcast_in_dim3A_85 = arith.constant true
        %broadcast_in_dim3A_86 = vector.broadcast %broadcast_in_dim3A_85 : i1 to vector<16xi1>
        %unique3A, %unique3A_87 = tpu.scan_count mask(%broadcast_in_dim3A_86 : vector<16xi1>) value(%add3A_84 : vector<16xi32>) : vector<16xi1>, vector<16xi32>
        %gather3A_88 = tpu.vector_load_idx %arg9[%add3A_84] : memref<8192xi32, #tpu.memory_space<vmem>>[vector<16xi32>], vector<16xi32>,
        %mul3A_89 = arith.constant 16 : i32
        %mul3A_90 = arith.muli %scan3A_71, %mul3A_89 : i32
        %add3A_91 = arith.constant 8192 : i32
        %add3A_92 = arith.addi %add3A_91, %mul3A_90 : i32
        %get3A_93 = arith.index_cast %add3A_92 : i32 to index
        %get3A_94 = tpu.vector_load %arg6[%get3A_93] {strides = array<i32>} : memref<32768xi32, #tpu.memory_space<vmem>>, vector<16xi32>,
        %gather3A_95 = tpu.vector_load_idx %arg5[%get3A_94] : memref<32768xf32, #tpu.memory_space<vmem>>[vector<16xi32>], vector<16xf32>,
        %bitcast3A_96 = vector.bitcast %gather3A_95 : vector<16xf32> to vector<16xi32>
        %shift_right_logical3A_97 = arith.constant 11 : i32
        %shift_right_logical3A_98 = vector.broadcast %shift_right_logical3A_97 : i32 to vector<16xi32>
        %shift_right_logical3A_99 = arith.shrui %bitcast3A_96, %shift_right_logical3A_98 : vector<16xi32>
        %and3A_100 = arith.constant 2047 : i32
        %and3A_101 = vector.broadcast %and3A_100 : i32 to vector<16xi32>
        %and3A_102 = arith.andi %shift_right_logical3A_99, %and3A_101 : vector<16xi32>
        %add3A_103 = arith.constant 2048 : i32
        %add3A_104 = vector.broadcast %add3A_103 : i32 to vector<16xi32>
        %add3A_105 = arith.addi %and3A_102, %add3A_104 : vector<16xi32>
        %broadcast_in_dim3A_106 = arith.constant true
        %broadcast_in_dim3A_107 = vector.broadcast %broadcast_in_dim3A_106 : i1 to vector<16xi1>
        %unique3A_108, %unique3A_109 = tpu.scan_count mask(%broadcast_in_dim3A_107 : vector<16xi1>) value(%add3A_105 : vector<16xi32>) : vector<16xi1>, vector<16xi32>
        %gather3A_110 = tpu.vector_load_idx %arg9[%add3A_105] : memref<8192xi32, #tpu.memory_space<vmem>>[vector<16xi32>], vector<16xi32>,
        %mul3A_111 = arith.constant 16 : i32
        %mul3A_112 = arith.muli %scan3A_71, %mul3A_111 : i32
        %add3A_113 = arith.constant 16384 : i32
        %add3A_114 = arith.addi %add3A_113, %mul3A_112 : i32
        %get3A_115 = arith.index_cast %add3A_114 : i32 to index
        %get3A_116 = tpu.vector_load %arg6[%get3A_115] {strides = array<i32>} : memref<32768xi32, #tpu.memory_space<vmem>>, vector<16xi32>,
        %gather3A_117 = tpu.vector_load_idx %arg5[%get3A_116] : memref<32768xf32, #tpu.memory_space<vmem>>[vector<16xi32>], vector<16xf32>,
        %bitcast3A_118 = vector.bitcast %gather3A_117 : vector<16xf32> to vector<16xi32>
        %shift_right_logical3A_119 = arith.constant 11 : i32
        %shift_right_logical3A_120 = vector.broadcast %shift_right_logical3A_119 : i32 to vector<16xi32>
        %shift_right_logical3A_121 = arith.shrui %bitcast3A_118, %shift_right_logical3A_120 : vector<16xi32>
        %and3A_122 = arith.constant 2047 : i32
        %and3A_123 = vector.broadcast %and3A_122 : i32 to vector<16xi32>
        %and3A_124 = arith.andi %shift_right_logical3A_121, %and3A_123 : vector<16xi32>
        %add3A_125 = arith.constant 4096 : i32
        %add3A_126 = vector.broadcast %add3A_125 : i32 to vector<16xi32>
        %add3A_127 = arith.addi %and3A_124, %add3A_126 : vector<16xi32>
        %broadcast_in_dim3A_128 = arith.constant true
        %broadcast_in_dim3A_129 = vector.broadcast %broadcast_in_dim3A_128 : i1 to vector<16xi1>
        %unique3A_130, %unique3A_131 = tpu.scan_count mask(%broadcast_in_dim3A_129 : vector<16xi1>) value(%add3A_127 : vector<16xi32>) : vector<16xi1>, vector<16xi32>
        %gather3A_132 = tpu.vector_load_idx %arg9[%add3A_127] : memref<8192xi32, #tpu.memory_space<vmem>>[vector<16xi32>], vector<16xi32>,
        %mul3A_133 = arith.constant 16 : i32
        %mul3A_134 = arith.muli %scan3A_71, %mul3A_133 : i32
        %add3A_135 = arith.constant 24576 : i32
        %add3A_136 = arith.addi %add3A_135, %mul3A_134 : i32
        %get3A_137 = arith.index_cast %add3A_136 : i32 to index
        %get3A_138 = tpu.vector_load %arg6[%get3A_137] {strides = array<i32>} : memref<32768xi32, #tpu.memory_space<vmem>>, vector<16xi32>,
        %gather3A_139 = tpu.vector_load_idx %arg5[%get3A_138] : memref<32768xf32, #tpu.memory_space<vmem>>[vector<16xi32>], vector<16xf32>,
        %bitcast3A_140 = vector.bitcast %gather3A_139 : vector<16xf32> to vector<16xi32>
        %shift_right_logical3A_141 = arith.constant 11 : i32
        %shift_right_logical3A_142 = vector.broadcast %shift_right_logical3A_141 : i32 to vector<16xi32>
        %shift_right_logical3A_143 = arith.shrui %bitcast3A_140, %shift_right_logical3A_142 : vector<16xi32>
        %and3A_144 = arith.constant 2047 : i32
        %and3A_145 = vector.broadcast %and3A_144 : i32 to vector<16xi32>
        %and3A_146 = arith.andi %shift_right_logical3A_143, %and3A_145 : vector<16xi32>
        %add3A_147 = arith.constant 6144 : i32
        %add3A_148 = vector.broadcast %add3A_147 : i32 to vector<16xi32>
        %add3A_149 = arith.addi %and3A_146, %add3A_148 : vector<16xi32>
        %broadcast_in_dim3A_150 = arith.constant true
        %broadcast_in_dim3A_151 = vector.broadcast %broadcast_in_dim3A_150 : i1 to vector<16xi1>
        %unique3A_152, %unique3A_153 = tpu.scan_count mask(%broadcast_in_dim3A_151 : vector<16xi1>) value(%add3A_149 : vector<16xi32>) : vector<16xi1>, vector<16xi32>
        %gather3A_154 = tpu.vector_load_idx %arg9[%add3A_149] : memref<8192xi32, #tpu.memory_space<vmem>>[vector<16xi32>], vector<16xi32>,
        tpu.vector_store_idx %arg9[%add3A_84], %broadcast_in_dim3A_14 {add = true} : memref<8192xi32, #tpu.memory_space<vmem>>[vector<16xi32>], vector<16xi32>,
        %add3A_155 = arith.addi %gather3A_88, %unique3A_87 : vector<16xi32>
        %sub3A = arith.constant 1 : i32
        %sub3A_156 = vector.broadcast %sub3A : i32 to vector<16xi32>
        %sub3A_157 = arith.subi %add3A_155, %sub3A_156 : vector<16xi32>
        %shift_right_logical3A_158 = arith.constant 22 : i32
        %shift_right_logical3A_159 = vector.broadcast %shift_right_logical3A_158 : i32 to vector<16xi32>
        %shift_right_logical3A_160 = arith.shrui %bitcast3A, %shift_right_logical3A_159 : vector<16xi32>
        %and3A_161 = arith.constant 1023 : i32
        %and3A_162 = vector.broadcast %and3A_161 : i32 to vector<16xi32>
        %and3A_163 = arith.andi %shift_right_logical3A_160, %and3A_162 : vector<16xi32>
        %shift_left3A = arith.constant 15 : i32
        %shift_left3A_164 = vector.broadcast %shift_left3A : i32 to vector<16xi32>
        %shift_left3A_165 = arith.shli %and3A_163, %shift_left3A_164 : vector<16xi32>
        %or3A = arith.ori %shift_left3A_165, %get3A_77 : vector<16xi32>
        %bitcast3A_166 = vector.bitcast %or3A : vector<16xi32> to vector<16xf32>
        tpu.vector_store_idx %arg7[%sub3A_157], %bitcast3A_166 : memref<32768xf32, #tpu.memory_space<vmem>>[vector<16xi32>], vector<16xf32>,
        %shift_right_logical3A_167 = arith.constant 13 : i32
        %shift_right_logical3A_168 = vector.broadcast %shift_right_logical3A_167 : i32 to vector<16xi32>
        %shift_right_logical3A_169 = arith.shrui %sub3A_157, %shift_right_logical3A_168 : vector<16xi32>
        %shift_left3A_170 = arith.constant 10 : i32
        %shift_left3A_171 = vector.broadcast %shift_left3A_170 : i32 to vector<16xi32>
        %shift_left3A_172 = arith.shli %shift_right_logical3A_169, %shift_left3A_171 : vector<16xi32>
        %add3A_173 = arith.addi %and3A_163, %shift_left3A_172 : vector<16xi32>
        tpu.vector_store_idx %arg10[%add3A_173], %broadcast_in_dim3A_14 {add = true} : memref<4096xi32, #tpu.memory_space<vmem>>[vector<16xi32>], vector<16xi32>,
        tpu.vector_store_idx %arg9[%add3A_105], %broadcast_in_dim3A_14 {add = true} : memref<8192xi32, #tpu.memory_space<vmem>>[vector<16xi32>], vector<16xi32>,
        %add3A_174 = arith.addi %gather3A_110, %unique3A_109 : vector<16xi32>
        %sub3A_175 = arith.constant 1 : i32
        %sub3A_176 = vector.broadcast %sub3A_175 : i32 to vector<16xi32>
        %sub3A_177 = arith.subi %add3A_174, %sub3A_176 : vector<16xi32>
        %shift_right_logical3A_178 = arith.constant 22 : i32
        %shift_right_logical3A_179 = vector.broadcast %shift_right_logical3A_178 : i32 to vector<16xi32>
        %shift_right_logical3A_180 = arith.shrui %bitcast3A_96, %shift_right_logical3A_179 : vector<16xi32>
        %and3A_181 = arith.constant 1023 : i32
        %and3A_182 = vector.broadcast %and3A_181 : i32 to vector<16xi32>
        %and3A_183 = arith.andi %shift_right_logical3A_180, %and3A_182 : vector<16xi32>
        %shift_left3A_184 = arith.constant 15 : i32
        %shift_left3A_185 = vector.broadcast %shift_left3A_184 : i32 to vector<16xi32>
        %shift_left3A_186 = arith.shli %and3A_183, %shift_left3A_185 : vector<16xi32>
        %or3A_187 = arith.ori %shift_left3A_186, %get3A_94 : vector<16xi32>
        %bitcast3A_188 = vector.bitcast %or3A_187 : vector<16xi32> to vector<16xf32>
        tpu.vector_store_idx %arg7[%sub3A_177], %bitcast3A_188 : memref<32768xf32, #tpu.memory_space<vmem>>[vector<16xi32>], vector<16xf32>,
        %shift_right_logical3A_189 = arith.constant 13 : i32
        %shift_right_logical3A_190 = vector.broadcast %shift_right_logical3A_189 : i32 to vector<16xi32>
        %shift_right_logical3A_191 = arith.shrui %sub3A_177, %shift_right_logical3A_190 : vector<16xi32>
        %shift_left3A_192 = arith.constant 10 : i32
        %shift_left3A_193 = vector.broadcast %shift_left3A_192 : i32 to vector<16xi32>
        %shift_left3A_194 = arith.shli %shift_right_logical3A_191, %shift_left3A_193 : vector<16xi32>
        %add3A_195 = arith.addi %and3A_183, %shift_left3A_194 : vector<16xi32>
        tpu.vector_store_idx %arg10[%add3A_195], %broadcast_in_dim3A_14 {add = true} : memref<4096xi32, #tpu.memory_space<vmem>>[vector<16xi32>], vector<16xi32>,
        tpu.vector_store_idx %arg9[%add3A_127], %broadcast_in_dim3A_14 {add = true} : memref<8192xi32, #tpu.memory_space<vmem>>[vector<16xi32>], vector<16xi32>,
        %add3A_196 = arith.addi %gather3A_132, %unique3A_131 : vector<16xi32>
        %sub3A_197 = arith.constant 1 : i32
        %sub3A_198 = vector.broadcast %sub3A_197 : i32 to vector<16xi32>
        %sub3A_199 = arith.subi %add3A_196, %sub3A_198 : vector<16xi32>
        %shift_right_logical3A_200 = arith.constant 22 : i32
        %shift_right_logical3A_201 = vector.broadcast %shift_right_logical3A_200 : i32 to vector<16xi32>
        %shift_right_logical3A_202 = arith.shrui %bitcast3A_118, %shift_right_logical3A_201 : vector<16xi32>
        %and3A_203 = arith.constant 1023 : i32
        %and3A_204 = vector.broadcast %and3A_203 : i32 to vector<16xi32>
        %and3A_205 = arith.andi %shift_right_logical3A_202, %and3A_204 : vector<16xi32>
        %shift_left3A_206 = arith.constant 15 : i32
        %shift_left3A_207 = vector.broadcast %shift_left3A_206 : i32 to vector<16xi32>
        %shift_left3A_208 = arith.shli %and3A_205, %shift_left3A_207 : vector<16xi32>
        %or3A_209 = arith.ori %shift_left3A_208, %get3A_116 : vector<16xi32>
        %bitcast3A_210 = vector.bitcast %or3A_209 : vector<16xi32> to vector<16xf32>
        tpu.vector_store_idx %arg7[%sub3A_199], %bitcast3A_210 : memref<32768xf32, #tpu.memory_space<vmem>>[vector<16xi32>], vector<16xf32>,
        %shift_right_logical3A_211 = arith.constant 13 : i32
        %shift_right_logical3A_212 = vector.broadcast %shift_right_logical3A_211 : i32 to vector<16xi32>
        %shift_right_logical3A_213 = arith.shrui %sub3A_199, %shift_right_logical3A_212 : vector<16xi32>
        %shift_left3A_214 = arith.constant 10 : i32
        %shift_left3A_215 = vector.broadcast %shift_left3A_214 : i32 to vector<16xi32>
        %shift_left3A_216 = arith.shli %shift_right_logical3A_213, %shift_left3A_215 : vector<16xi32>
        %add3A_217 = arith.addi %and3A_205, %shift_left3A_216 : vector<16xi32>
        tpu.vector_store_idx %arg10[%add3A_217], %broadcast_in_dim3A_14 {add = true} : memref<4096xi32, #tpu.memory_space<vmem>>[vector<16xi32>], vector<16xi32>,
        tpu.vector_store_idx %arg9[%add3A_149], %broadcast_in_dim3A_14 {add = true} : memref<8192xi32, #tpu.memory_space<vmem>>[vector<16xi32>], vector<16xi32>,
        %add3A_218 = arith.addi %gather3A_154, %unique3A_153 : vector<16xi32>
        %sub3A_219 = arith.constant 1 : i32
        %sub3A_220 = vector.broadcast %sub3A_219 : i32 to vector<16xi32>
        %sub3A_221 = arith.subi %add3A_218, %sub3A_220 : vector<16xi32>
        %shift_right_logical3A_222 = arith.constant 22 : i32
        %shift_right_logical3A_223 = vector.broadcast %shift_right_logical3A_222 : i32 to vector<16xi32>
        %shift_right_logical3A_224 = arith.shrui %bitcast3A_140, %shift_right_logical3A_223 : vector<16xi32>
        %and3A_225 = arith.constant 1023 : i32
        %and3A_226 = vector.broadcast %and3A_225 : i32 to vector<16xi32>
        %and3A_227 = arith.andi %shift_right_logical3A_224, %and3A_226 : vector<16xi32>
        %shift_left3A_228 = arith.constant 15 : i32
        %shift_left3A_229 = vector.broadcast %shift_left3A_228 : i32 to vector<16xi32>
        %shift_left3A_230 = arith.shli %and3A_227, %shift_left3A_229 : vector<16xi32>
        %or3A_231 = arith.ori %shift_left3A_230, %get3A_138 : vector<16xi32>
        %bitcast3A_232 = vector.bitcast %or3A_231 : vector<16xi32> to vector<16xf32>
        tpu.vector_store_idx %arg7[%sub3A_221], %bitcast3A_232 : memref<32768xf32, #tpu.memory_space<vmem>>[vector<16xi32>], vector<16xf32>,
        %shift_right_logical3A_233 = arith.constant 13 : i32
        %shift_right_logical3A_234 = vector.broadcast %shift_right_logical3A_233 : i32 to vector<16xi32>
        %shift_right_logical3A_235 = arith.shrui %sub3A_221, %shift_right_logical3A_234 : vector<16xi32>
        %shift_left3A_236 = arith.constant 10 : i32
        %shift_left3A_237 = vector.broadcast %shift_left3A_236 : i32 to vector<16xi32>
        %shift_left3A_238 = arith.shli %shift_right_logical3A_235, %shift_left3A_237 : vector<16xi32>
        %add3A_239 = arith.addi %and3A_227, %shift_left3A_238 : vector<16xi32>
        tpu.vector_store_idx %arg10[%add3A_239], %broadcast_in_dim3A_14 {add = true} : memref<4096xi32, #tpu.memory_space<vmem>>[vector<16xi32>], vector<16xi32>,
        %scan3A_240 = arith.constant 0 : i32
        scf.yield %scan3A_240 : i32
      }
      %scan3A_54 = arith.constant 512 : i32
      %parallel_loop3A_55 = arith.constant 0 : i32
      %parallel_loop3A_56 = arith.constant 64 : i32
      %parallel_loop3A_57 = arith.constant 1 : i32
      %parallel_loop3A_58 = arith.constant 0 : i32
      %parallel_loop3A_59 = scf.for %parallel_loop3A_71 = %parallel_loop3A_55 to %parallel_loop3A_56 step %parallel_loop3A_57 iter_args(%parallel_loop3A_72 = %parallel_loop3A_58) -> (i32)  : i32 {
        %parallel_loop3A_73 = arith.constant 16 : i32
        %parallel_loop3A_74 = arith.muli %parallel_loop3A_71, %parallel_loop3A_73 : i32
        %parallel_loop3A_75 = arith.constant 0 : i32
        %parallel_loop3A_76 = arith.addi %parallel_loop3A_75, %parallel_loop3A_74 : i32
        %parallel_loop3A_77 = arith.index_cast %parallel_loop3A_76 : i32 to index
        %parallel_loop3A_78 = tpu.vector_load %arg10[%parallel_loop3A_77] {strides = array<i32>} : memref<4096xi32, #tpu.memory_space<vmem>>, vector<16xi32>,
        %parallel_loop3A_79 = arith.constant 16 : i32
        %parallel_loop3A_80 = arith.muli %parallel_loop3A_71, %parallel_loop3A_79 : i32
        %parallel_loop3A_81 = arith.constant 1024 : i32
        %parallel_loop3A_82 = arith.addi %parallel_loop3A_81, %parallel_loop3A_80 : i32
        %parallel_loop3A_83 = arith.index_cast %parallel_loop3A_82 : i32 to index
        %parallel_loop3A_84 = tpu.vector_load %arg10[%parallel_loop3A_83] {strides = array<i32>} : memref<4096xi32, #tpu.memory_space<vmem>>, vector<16xi32>,
        %parallel_loop3A_85 = arith.constant 16 : i32
        %parallel_loop3A_86 = arith.muli %parallel_loop3A_71, %parallel_loop3A_85 : i32
        %parallel_loop3A_87 = arith.constant 2048 : i32
        %parallel_loop3A_88 = arith.addi %parallel_loop3A_87, %parallel_loop3A_86 : i32
        %parallel_loop3A_89 = arith.index_cast %parallel_loop3A_88 : i32 to index
        %parallel_loop3A_90 = tpu.vector_load %arg10[%parallel_loop3A_89] {strides = array<i32>} : memref<4096xi32, #tpu.memory_space<vmem>>, vector<16xi32>,
        %parallel_loop3A_91 = arith.constant 16 : i32
        %parallel_loop3A_92 = arith.muli %parallel_loop3A_71, %parallel_loop3A_91 : i32
        %parallel_loop3A_93 = arith.constant 3072 : i32
        %parallel_loop3A_94 = arith.addi %parallel_loop3A_93, %parallel_loop3A_92 : i32
        %parallel_loop3A_95 = arith.index_cast %parallel_loop3A_94 : i32 to index
        %parallel_loop3A_96 = tpu.vector_load %arg10[%parallel_loop3A_95] {strides = array<i32>} : memref<4096xi32, #tpu.memory_space<vmem>>, vector<16xi32>,
        %parallel_loop3A_97 = arith.addi %parallel_loop3A_78, %parallel_loop3A_84 : vector<16xi32>
        %parallel_loop3A_98 = arith.addi %parallel_loop3A_97, %parallel_loop3A_90 : vector<16xi32>
        %parallel_loop3A_99 = arith.addi %parallel_loop3A_98, %parallel_loop3A_96 : vector<16xi32>
        %parallel_loop3A_100 = arith.constant true
        %parallel_loop3A_101 = vector.broadcast %parallel_loop3A_100 : i1 to vector<16xi1>
        %parallel_loop3A_102 = tpu.scan <sum>, %parallel_loop3A_99 masked %parallel_loop3A_101 : vector<16xi32>, vector<16xi1> -> vector<16xi32>
        %parallel_loop3A_103 = arith.subi %parallel_loop3A_102, %parallel_loop3A_99 : vector<16xi32>
        %parallel_loop3A_104 = vector.broadcast %parallel_loop3A_72 : i32 to vector<16xi32>
        %parallel_loop3A_105 = arith.addi %parallel_loop3A_103, %parallel_loop3A_104 : vector<16xi32>
        %parallel_loop3A_106 = arith.constant 16 : i32
        %parallel_loop3A_107 = arith.muli %parallel_loop3A_71, %parallel_loop3A_106 : i32
        %parallel_loop3A_108 = arith.constant 0 : i32
        %parallel_loop3A_109 = arith.addi %parallel_loop3A_108, %parallel_loop3A_107 : i32
        %parallel_loop3A_110 = arith.index_cast %parallel_loop3A_109 : i32 to index
        %parallel_loop3A_111 = tpu.vector_load %arg10[%parallel_loop3A_110] {strides = array<i32>} : memref<4096xi32, #tpu.memory_space<vmem>>, vector<16xi32>,
        tpu.vector_store %arg10[%parallel_loop3A_110], %parallel_loop3A_105 {strides = array<i32>} : memref<4096xi32, #tpu.memory_space<vmem>>, vector<16xi32>,
        %parallel_loop3A_112 = arith.addi %parallel_loop3A_105, %parallel_loop3A_78 : vector<16xi32>
        %parallel_loop3A_113 = arith.constant 16 : i32
        %parallel_loop3A_114 = arith.muli %parallel_loop3A_71, %parallel_loop3A_113 : i32
        %parallel_loop3A_115 = arith.constant 1024 : i32
        %parallel_loop3A_116 = arith.addi %parallel_loop3A_115, %parallel_loop3A_114 : i32
        %parallel_loop3A_117 = arith.index_cast %parallel_loop3A_116 : i32 to index
        %parallel_loop3A_118 = tpu.vector_load %arg10[%parallel_loop3A_117] {strides = array<i32>} : memref<4096xi32, #tpu.memory_space<vmem>>, vector<16xi32>,
        tpu.vector_store %arg10[%parallel_loop3A_117], %parallel_loop3A_112 {strides = array<i32>} : memref<4096xi32, #tpu.memory_space<vmem>>, vector<16xi32>,
        %parallel_loop3A_119 = arith.addi %parallel_loop3A_112, %parallel_loop3A_84 : vector<16xi32>
        %parallel_loop3A_120 = arith.constant 16 : i32
        %parallel_loop3A_121 = arith.muli %parallel_loop3A_71, %parallel_loop3A_120 : i32
        %parallel_loop3A_122 = arith.constant 2048 : i32
        %parallel_loop3A_123 = arith.addi %parallel_loop3A_122, %parallel_loop3A_121 : i32
        %parallel_loop3A_124 = arith.index_cast %parallel_loop3A_123 : i32 to index
        %parallel_loop3A_125 = tpu.vector_load %arg10[%parallel_loop3A_124] {strides = array<i32>} : memref<4096xi32, #tpu.memory_space<vmem>>, vector<16xi32>,
        tpu.vector_store %arg10[%parallel_loop3A_124], %parallel_loop3A_119 {strides = array<i32>} : memref<4096xi32, #tpu.memory_space<vmem>>, vector<16xi32>,
        %parallel_loop3A_126 = arith.addi %parallel_loop3A_119, %parallel_loop3A_90 : vector<16xi32>
        %parallel_loop3A_127 = arith.constant 16 : i32
        %parallel_loop3A_128 = arith.muli %parallel_loop3A_71, %parallel_loop3A_127 : i32
        %parallel_loop3A_129 = arith.constant 3072 : i32
        %parallel_loop3A_130 = arith.addi %parallel_loop3A_129, %parallel_loop3A_128 : i32
        %parallel_loop3A_131 = arith.index_cast %parallel_loop3A_130 : i32 to index
        %parallel_loop3A_132 = tpu.vector_load %arg10[%parallel_loop3A_131] {strides = array<i32>} : memref<4096xi32, #tpu.memory_space<vmem>>, vector<16xi32>,
        tpu.vector_store %arg10[%parallel_loop3A_131], %parallel_loop3A_126 {strides = array<i32>} : memref<4096xi32, #tpu.memory_space<vmem>>, vector<16xi32>,
        %parallel_loop3A_133 = arith.addi %parallel_loop3A_126, %parallel_loop3A_96 : vector<16xi32>
        %parallel_loop3A_134 = arith.constant true
        %parallel_loop3A_135 = vector.broadcast %parallel_loop3A_134 : i1 to vector<16xi1>
        %parallel_loop3A_136 = tpu.scan <sum>, %parallel_loop3A_99 masked %parallel_loop3A_135 : vector<16xi32>, vector<16xi1> -> vector<16xi32>
        %parallel_loop3A_137 = vector.extract %parallel_loop3A_136[15] : i32 from vector<16xi32>
        %parallel_loop3A_138 = arith.addi %parallel_loop3A_72, %parallel_loop3A_137 : i32
        scf.yield %parallel_loop3A_138 : i32
      } {sc.loop_unroll_factor = 2 : i64, sc.parallel_access}
      %scan3A_60 = arith.constant 0 : i32
      %scan3A_61 = arith.constant 0 : i32
      %scan3A_62 = arith.constant 512 : i32
      %scan3A_63 = arith.addi %scan3A_61, %scan3A_62 : i32
      %scan3A_64 = arith.constant 1 : i32
      %scan3A_65 = scf.for %scan3A_71 = %scan3A_61 to %scan3A_63 step %scan3A_64 iter_args(%scan3A_72 = %scan3A_60) -> (i32)  : i32 {
        %mul3A_73 = arith.constant 16 : i32
        %mul3A_74 = arith.muli %scan3A_71, %mul3A_73 : i32
        %add3A_75 = arith.constant 0 : i32
        %add3A_76 = arith.addi %add3A_75, %mul3A_74 : i32
        %get3A = arith.index_cast %add3A_76 : i32 to index
        %get3A_77 = tpu.vector_load %arg7[%get3A] {strides = array<i32>} : memref<32768xf32, #tpu.memory_space<vmem>>, vector<16xf32>,
        %bitcast3A = vector.bitcast %get3A_77 : vector<16xf32> to vector<16xi32>
        %and3A = arith.constant 32767 : i32
        %and3A_78 = vector.broadcast %and3A : i32 to vector<16xi32>
        %and3A_79 = arith.andi %bitcast3A, %and3A_78 : vector<16xi32>
        %shift_right_logical3A = arith.constant 15 : i32
        %shift_right_logical3A_80 = vector.broadcast %shift_right_logical3A : i32 to vector<16xi32>
        %shift_right_logical3A_81 = arith.shrui %bitcast3A, %shift_right_logical3A_80 : vector<16xi32>
        %add3A_82 = arith.constant 0 : i32
        %add3A_83 = vector.broadcast %add3A_82 : i32 to vector<16xi32>
        %add3A_84 = arith.addi %shift_right_logical3A_81, %add3A_83 : vector<16xi32>
        %broadcast_in_dim3A_85 = arith.constant true
        %broadcast_in_dim3A_86 = vector.broadcast %broadcast_in_dim3A_85 : i1 to vector<16xi1>
        %unique3A, %unique3A_87 = tpu.scan_count mask(%broadcast_in_dim3A_86 : vector<16xi1>) value(%add3A_84 : vector<16xi32>) : vector<16xi1>, vector<16xi32>
        %gather3A = tpu.vector_load_idx %arg10[%add3A_84] : memref<4096xi32, #tpu.memory_space<vmem>>[vector<16xi32>], vector<16xi32>,
        %mul3A_88 = arith.constant 16 : i32
        %mul3A_89 = arith.muli %scan3A_71, %mul3A_88 : i32
        %add3A_90 = arith.constant 8192 : i32
        %add3A_91 = arith.addi %add3A_90, %mul3A_89 : i32
        %get3A_92 = arith.index_cast %add3A_91 : i32 to index
        %get3A_93 = tpu.vector_load %arg7[%get3A_92] {strides = array<i32>} : memref<32768xf32, #tpu.memory_space<vmem>>, vector<16xf32>,
        %bitcast3A_94 = vector.bitcast %get3A_93 : vector<16xf32> to vector<16xi32>
        %and3A_95 = arith.constant 32767 : i32
        %and3A_96 = vector.broadcast %and3A_95 : i32 to vector<16xi32>
        %and3A_97 = arith.andi %bitcast3A_94, %and3A_96 : vector<16xi32>
        %shift_right_logical3A_98 = arith.constant 15 : i32
        %shift_right_logical3A_99 = vector.broadcast %shift_right_logical3A_98 : i32 to vector<16xi32>
        %shift_right_logical3A_100 = arith.shrui %bitcast3A_94, %shift_right_logical3A_99 : vector<16xi32>
        %add3A_101 = arith.constant 1024 : i32
        %add3A_102 = vector.broadcast %add3A_101 : i32 to vector<16xi32>
        %add3A_103 = arith.addi %shift_right_logical3A_100, %add3A_102 : vector<16xi32>
        %broadcast_in_dim3A_104 = arith.constant true
        %broadcast_in_dim3A_105 = vector.broadcast %broadcast_in_dim3A_104 : i1 to vector<16xi1>
        %unique3A_106, %unique3A_107 = tpu.scan_count mask(%broadcast_in_dim3A_105 : vector<16xi1>) value(%add3A_103 : vector<16xi32>) : vector<16xi1>, vector<16xi32>
        %gather3A_108 = tpu.vector_load_idx %arg10[%add3A_103] : memref<4096xi32, #tpu.memory_space<vmem>>[vector<16xi32>], vector<16xi32>,
        %mul3A_109 = arith.constant 16 : i32
        %mul3A_110 = arith.muli %scan3A_71, %mul3A_109 : i32
        %add3A_111 = arith.constant 16384 : i32
        %add3A_112 = arith.addi %add3A_111, %mul3A_110 : i32
        %get3A_113 = arith.index_cast %add3A_112 : i32 to index
        %get3A_114 = tpu.vector_load %arg7[%get3A_113] {strides = array<i32>} : memref<32768xf32, #tpu.memory_space<vmem>>, vector<16xf32>,
        %bitcast3A_115 = vector.bitcast %get3A_114 : vector<16xf32> to vector<16xi32>
        %and3A_116 = arith.constant 32767 : i32
        %and3A_117 = vector.broadcast %and3A_116 : i32 to vector<16xi32>
        %and3A_118 = arith.andi %bitcast3A_115, %and3A_117 : vector<16xi32>
        %shift_right_logical3A_119 = arith.constant 15 : i32
        %shift_right_logical3A_120 = vector.broadcast %shift_right_logical3A_119 : i32 to vector<16xi32>
        %shift_right_logical3A_121 = arith.shrui %bitcast3A_115, %shift_right_logical3A_120 : vector<16xi32>
        %add3A_122 = arith.constant 2048 : i32
        %add3A_123 = vector.broadcast %add3A_122 : i32 to vector<16xi32>
        %add3A_124 = arith.addi %shift_right_logical3A_121, %add3A_123 : vector<16xi32>
        %broadcast_in_dim3A_125 = arith.constant true
        %broadcast_in_dim3A_126 = vector.broadcast %broadcast_in_dim3A_125 : i1 to vector<16xi1>
        %unique3A_127, %unique3A_128 = tpu.scan_count mask(%broadcast_in_dim3A_126 : vector<16xi1>) value(%add3A_124 : vector<16xi32>) : vector<16xi1>, vector<16xi32>
        %gather3A_129 = tpu.vector_load_idx %arg10[%add3A_124] : memref<4096xi32, #tpu.memory_space<vmem>>[vector<16xi32>], vector<16xi32>,
        %mul3A_130 = arith.constant 16 : i32
        %mul3A_131 = arith.muli %scan3A_71, %mul3A_130 : i32
        %add3A_132 = arith.constant 24576 : i32
        %add3A_133 = arith.addi %add3A_132, %mul3A_131 : i32
        %get3A_134 = arith.index_cast %add3A_133 : i32 to index
        %get3A_135 = tpu.vector_load %arg7[%get3A_134] {strides = array<i32>} : memref<32768xf32, #tpu.memory_space<vmem>>, vector<16xf32>,
        %bitcast3A_136 = vector.bitcast %get3A_135 : vector<16xf32> to vector<16xi32>
        %and3A_137 = arith.constant 32767 : i32
        %and3A_138 = vector.broadcast %and3A_137 : i32 to vector<16xi32>
        %and3A_139 = arith.andi %bitcast3A_136, %and3A_138 : vector<16xi32>
        %shift_right_logical3A_140 = arith.constant 15 : i32
        %shift_right_logical3A_141 = vector.broadcast %shift_right_logical3A_140 : i32 to vector<16xi32>
        %shift_right_logical3A_142 = arith.shrui %bitcast3A_136, %shift_right_logical3A_141 : vector<16xi32>
        %add3A_143 = arith.constant 3072 : i32
        %add3A_144 = vector.broadcast %add3A_143 : i32 to vector<16xi32>
        %add3A_145 = arith.addi %shift_right_logical3A_142, %add3A_144 : vector<16xi32>
        %broadcast_in_dim3A_146 = arith.constant true
        %broadcast_in_dim3A_147 = vector.broadcast %broadcast_in_dim3A_146 : i1 to vector<16xi1>
        %unique3A_148, %unique3A_149 = tpu.scan_count mask(%broadcast_in_dim3A_147 : vector<16xi1>) value(%add3A_145 : vector<16xi32>) : vector<16xi1>, vector<16xi32>
        %gather3A_150 = tpu.vector_load_idx %arg10[%add3A_145] : memref<4096xi32, #tpu.memory_space<vmem>>[vector<16xi32>], vector<16xi32>,
        tpu.vector_store_idx %arg10[%add3A_84], %broadcast_in_dim3A_14 {add = true} : memref<4096xi32, #tpu.memory_space<vmem>>[vector<16xi32>], vector<16xi32>,
        %add3A_151 = arith.addi %gather3A, %unique3A_87 : vector<16xi32>
        %sub3A = arith.constant 1 : i32
        %sub3A_152 = vector.broadcast %sub3A : i32 to vector<16xi32>
        %sub3A_153 = arith.subi %add3A_151, %sub3A_152 : vector<16xi32>
        tpu.vector_store_idx %arg6[%sub3A_153], %and3A_79 : memref<32768xi32, #tpu.memory_space<vmem>>[vector<16xi32>], vector<16xi32>,
        tpu.vector_store_idx %arg10[%add3A_103], %broadcast_in_dim3A_14 {add = true} : memref<4096xi32, #tpu.memory_space<vmem>>[vector<16xi32>], vector<16xi32>,
        %add3A_154 = arith.addi %gather3A_108, %unique3A_107 : vector<16xi32>
        %sub3A_155 = arith.constant 1 : i32
        %sub3A_156 = vector.broadcast %sub3A_155 : i32 to vector<16xi32>
        %sub3A_157 = arith.subi %add3A_154, %sub3A_156 : vector<16xi32>
        tpu.vector_store_idx %arg6[%sub3A_157], %and3A_97 : memref<32768xi32, #tpu.memory_space<vmem>>[vector<16xi32>], vector<16xi32>,
        tpu.vector_store_idx %arg10[%add3A_124], %broadcast_in_dim3A_14 {add = true} : memref<4096xi32, #tpu.memory_space<vmem>>[vector<16xi32>], vector<16xi32>,
        %add3A_158 = arith.addi %gather3A_129, %unique3A_128 : vector<16xi32>
        %sub3A_159 = arith.constant 1 : i32
        %sub3A_160 = vector.broadcast %sub3A_159 : i32 to vector<16xi32>
        %sub3A_161 = arith.subi %add3A_158, %sub3A_160 : vector<16xi32>
        tpu.vector_store_idx %arg6[%sub3A_161], %and3A_118 : memref<32768xi32, #tpu.memory_space<vmem>>[vector<16xi32>], vector<16xi32>,
        tpu.vector_store_idx %arg10[%add3A_145], %broadcast_in_dim3A_14 {add = true} : memref<4096xi32, #tpu.memory_space<vmem>>[vector<16xi32>], vector<16xi32>,
        %add3A_162 = arith.addi %gather3A_150, %unique3A_149 : vector<16xi32>
        %sub3A_163 = arith.constant 1 : i32
        %sub3A_164 = vector.broadcast %sub3A_163 : i32 to vector<16xi32>
        %sub3A_165 = arith.subi %add3A_162, %sub3A_164 : vector<16xi32>
        tpu.vector_store_idx %arg6[%sub3A_165], %and3A_139 : memref<32768xi32, #tpu.memory_space<vmem>>[vector<16xi32>], vector<16xi32>,
        %scan3A_166 = arith.constant 0 : i32
        scf.yield %scan3A_166 : i32
      }
      %scan3A_66 = arith.constant 512 : i32
      %parallel_loop3A_67 = arith.constant 0 : i32
      %parallel_loop3A_68 = arith.constant 512 : i32
      %parallel_loop3A_69 = arith.constant 1 : i32
      scf.for %parallel_loop3A_71 = %parallel_loop3A_67 to %parallel_loop3A_68 step %parallel_loop3A_69  : i32 {
        %parallel_loop3A_72 = arith.constant 16 : i32
        %parallel_loop3A_73 = arith.muli %parallel_loop3A_71, %parallel_loop3A_72 : i32
        %parallel_loop3A_74 = arith.constant 0 : i32
        %parallel_loop3A_75 = arith.addi %parallel_loop3A_74, %parallel_loop3A_73 : i32
        %parallel_loop3A_76 = arith.index_cast %parallel_loop3A_75 : i32 to index
        %parallel_loop3A_77 = tpu.vector_load %arg6[%parallel_loop3A_76] {strides = array<i32>} : memref<32768xi32, #tpu.memory_space<vmem>>, vector<16xi32>,
        %parallel_loop3A_78 = tpu.vector_load_idx %arg5[%parallel_loop3A_77] : memref<32768xf32, #tpu.memory_space<vmem>>[vector<16xi32>], vector<16xf32>,
        %parallel_loop3A_79 = arith.constant 16 : i32
        %parallel_loop3A_80 = arith.muli %parallel_loop3A_71, %parallel_loop3A_79 : i32
        %parallel_loop3A_81 = arith.constant 8192 : i32
        %parallel_loop3A_82 = arith.addi %parallel_loop3A_81, %parallel_loop3A_80 : i32
        %parallel_loop3A_83 = arith.index_cast %parallel_loop3A_82 : i32 to index
        %parallel_loop3A_84 = tpu.vector_load %arg6[%parallel_loop3A_83] {strides = array<i32>} : memref<32768xi32, #tpu.memory_space<vmem>>, vector<16xi32>,
        %parallel_loop3A_85 = tpu.vector_load_idx %arg5[%parallel_loop3A_84] : memref<32768xf32, #tpu.memory_space<vmem>>[vector<16xi32>], vector<16xf32>,
        %parallel_loop3A_86 = arith.constant 16 : i32
        %parallel_loop3A_87 = arith.muli %parallel_loop3A_71, %parallel_loop3A_86 : i32
        %parallel_loop3A_88 = arith.constant 16384 : i32
        %parallel_loop3A_89 = arith.addi %parallel_loop3A_88, %parallel_loop3A_87 : i32
        %parallel_loop3A_90 = arith.index_cast %parallel_loop3A_89 : i32 to index
        %parallel_loop3A_91 = tpu.vector_load %arg6[%parallel_loop3A_90] {strides = array<i32>} : memref<32768xi32, #tpu.memory_space<vmem>>, vector<16xi32>,
        %parallel_loop3A_92 = tpu.vector_load_idx %arg5[%parallel_loop3A_91] : memref<32768xf32, #tpu.memory_space<vmem>>[vector<16xi32>], vector<16xf32>,
        %parallel_loop3A_93 = arith.constant 16 : i32
        %parallel_loop3A_94 = arith.muli %parallel_loop3A_71, %parallel_loop3A_93 : i32
        %parallel_loop3A_95 = arith.constant 24576 : i32
        %parallel_loop3A_96 = arith.addi %parallel_loop3A_95, %parallel_loop3A_94 : i32
        %parallel_loop3A_97 = arith.index_cast %parallel_loop3A_96 : i32 to index
        %parallel_loop3A_98 = tpu.vector_load %arg6[%parallel_loop3A_97] {strides = array<i32>} : memref<32768xi32, #tpu.memory_space<vmem>>, vector<16xi32>,
        %parallel_loop3A_99 = tpu.vector_load_idx %arg5[%parallel_loop3A_98] : memref<32768xf32, #tpu.memory_space<vmem>>[vector<16xi32>], vector<16xf32>,
        %parallel_loop3A_100 = vector.bitcast %parallel_loop3A_78 : vector<16xf32> to vector<16xi32>
        %parallel_loop3A_101 = arith.constant 0 : i32
        %parallel_loop3A_102 = vector.broadcast %parallel_loop3A_101 : i32 to vector<16xi32>
        %parallel_loop3A_103 = arith.cmpi slt, %parallel_loop3A_100, %parallel_loop3A_102 : vector<16xi32>
        %parallel_loop3A_104 = arith.constant 2147483647 : i32
        %parallel_loop3A_105 = vector.broadcast %parallel_loop3A_104 : i32 to vector<16xi32>
        %parallel_loop3A_106 = arith.andi %parallel_loop3A_100, %parallel_loop3A_105 : vector<16xi32>
        %parallel_loop3A_107 = arith.constant dense<-1> : vector<16xi32>
        %parallel_loop3A_108 = arith.xori %parallel_loop3A_100, %parallel_loop3A_107 : vector<16xi32>
        %parallel_loop3A_109 = arith.select %parallel_loop3A_103, %parallel_loop3A_106, %parallel_loop3A_108 : vector<16xi1>, vector<16xi32>
        %parallel_loop3A_110 = vector.bitcast %parallel_loop3A_109 : vector<16xi32> to vector<16xf32>
        %parallel_loop3A_111 = arith.index_cast %parallel_loop3A_75 : i32 to index
        %parallel_loop3A_112 = tpu.vector_load %arg7[%parallel_loop3A_111] {strides = array<i32>} : memref<32768xf32, #tpu.memory_space<vmem>>, vector<16xf32>,
        tpu.vector_store %arg7[%parallel_loop3A_111], %parallel_loop3A_110 {strides = array<i32>} : memref<32768xf32, #tpu.memory_space<vmem>>, vector<16xf32>,
        %parallel_loop3A_113 = vector.bitcast %parallel_loop3A_85 : vector<16xf32> to vector<16xi32>
        %parallel_loop3A_114 = arith.constant 0 : i32
        %parallel_loop3A_115 = vector.broadcast %parallel_loop3A_114 : i32 to vector<16xi32>
        %parallel_loop3A_116 = arith.cmpi slt, %parallel_loop3A_113, %parallel_loop3A_115 : vector<16xi32>
        %parallel_loop3A_117 = arith.constant 2147483647 : i32
        %parallel_loop3A_118 = vector.broadcast %parallel_loop3A_117 : i32 to vector<16xi32>
        %parallel_loop3A_119 = arith.andi %parallel_loop3A_113, %parallel_loop3A_118 : vector<16xi32>
        %parallel_loop3A_120 = arith.constant dense<-1> : vector<16xi32>
        %parallel_loop3A_121 = arith.xori %parallel_loop3A_113, %parallel_loop3A_120 : vector<16xi32>
        %parallel_loop3A_122 = arith.select %parallel_loop3A_116, %parallel_loop3A_119, %parallel_loop3A_121 : vector<16xi1>, vector<16xi32>
        %parallel_loop3A_123 = vector.bitcast %parallel_loop3A_122 : vector<16xi32> to vector<16xf32>
        %parallel_loop3A_124 = arith.index_cast %parallel_loop3A_82 : i32 to index
        %parallel_loop3A_125 = tpu.vector_load %arg7[%parallel_loop3A_124] {strides = array<i32>} : memref<32768xf32, #tpu.memory_space<vmem>>, vector<16xf32>,
        tpu.vector_store %arg7[%parallel_loop3A_124], %parallel_loop3A_123 {strides = array<i32>} : memref<32768xf32, #tpu.memory_space<vmem>>, vector<16xf32>,
        %parallel_loop3A_126 = vector.bitcast %parallel_loop3A_92 : vector<16xf32> to vector<16xi32>
        %parallel_loop3A_127 = arith.constant 0 : i32
        %parallel_loop3A_128 = vector.broadcast %parallel_loop3A_127 : i32 to vector<16xi32>
        %parallel_loop3A_129 = arith.cmpi slt, %parallel_loop3A_126, %parallel_loop3A_128 : vector<16xi32>
        %parallel_loop3A_130 = arith.constant 2147483647 : i32
        %parallel_loop3A_131 = vector.broadcast %parallel_loop3A_130 : i32 to vector<16xi32>
        %parallel_loop3A_132 = arith.andi %parallel_loop3A_126, %parallel_loop3A_131 : vector<16xi32>
        %parallel_loop3A_133 = arith.constant dense<-1> : vector<16xi32>
        %parallel_loop3A_134 = arith.xori %parallel_loop3A_126, %parallel_loop3A_133 : vector<16xi32>
        %parallel_loop3A_135 = arith.select %parallel_loop3A_129, %parallel_loop3A_132, %parallel_loop3A_134 : vector<16xi1>, vector<16xi32>
        %parallel_loop3A_136 = vector.bitcast %parallel_loop3A_135 : vector<16xi32> to vector<16xf32>
        %parallel_loop3A_137 = arith.index_cast %parallel_loop3A_89 : i32 to index
        %parallel_loop3A_138 = tpu.vector_load %arg7[%parallel_loop3A_137] {strides = array<i32>} : memref<32768xf32, #tpu.memory_space<vmem>>, vector<16xf32>,
        tpu.vector_store %arg7[%parallel_loop3A_137], %parallel_loop3A_136 {strides = array<i32>} : memref<32768xf32, #tpu.memory_space<vmem>>, vector<16xf32>,
        %parallel_loop3A_139 = vector.bitcast %parallel_loop3A_99 : vector<16xf32> to vector<16xi32>
        %parallel_loop3A_140 = arith.constant 0 : i32
        %parallel_loop3A_141 = vector.broadcast %parallel_loop3A_140 : i32 to vector<16xi32>
        %parallel_loop3A_142 = arith.cmpi slt, %parallel_loop3A_139, %parallel_loop3A_141 : vector<16xi32>
        %parallel_loop3A_143 = arith.constant 2147483647 : i32
        %parallel_loop3A_144 = vector.broadcast %parallel_loop3A_143 : i32 to vector<16xi32>
        %parallel_loop3A_145 = arith.andi %parallel_loop3A_139, %parallel_loop3A_144 : vector<16xi32>
        %parallel_loop3A_146 = arith.constant dense<-1> : vector<16xi32>
        %parallel_loop3A_147 = arith.xori %parallel_loop3A_139, %parallel_loop3A_146 : vector<16xi32>
        %parallel_loop3A_148 = arith.select %parallel_loop3A_142, %parallel_loop3A_145, %parallel_loop3A_147 : vector<16xi1>, vector<16xi32>
        %parallel_loop3A_149 = vector.bitcast %parallel_loop3A_148 : vector<16xi32> to vector<16xf32>
        %parallel_loop3A_150 = arith.index_cast %parallel_loop3A_96 : i32 to index
        %parallel_loop3A_151 = tpu.vector_load %arg7[%parallel_loop3A_150] {strides = array<i32>} : memref<32768xf32, #tpu.memory_space<vmem>>, vector<16xf32>,
        tpu.vector_store %arg7[%parallel_loop3A_150], %parallel_loop3A_149 {strides = array<i32>} : memref<32768xf32, #tpu.memory_space<vmem>>, vector<16xf32>,
      } {sc.loop_unroll_factor = 2 : i64, sc.parallel_access}
      "tpu.region"() ({
        %run_scoped3A = tpu.sem_alloc : memref<!tpu.dma_semaphore, #tpu.memory_space<semaphore_mem>>
        %dma_start3A = arith.constant 0 : i32
        %dma_start3A_71 = tpu.memref_slice %arg4[%add3A_11, %dma_start3A] : memref<64x32768xi32, #tpu.memory_space<hbm>> -> memref<1x32768xi32, #tpu.memory_space<hbm>>
        %dma_start3A_72 = tpu.memref_squeeze %dma_start3A_71 : memref<1x32768xi32, #tpu.memory_space<hbm>> -> memref<32768xi32, #tpu.memory_space<hbm>>
        %dma_start3A_73 = arith.constant 0 : i32
        %dma_start3A_74 = tpu.memref_slice %arg4[%add3A_11, %dma_start3A_73] : memref<64x32768xi32, #tpu.memory_space<hbm>> -> memref<1x32768xi32, #tpu.memory_space<hbm>>
        %dma_start3A_75 = tpu.memref_squeeze %dma_start3A_74 : memref<1x32768xi32, #tpu.memory_space<hbm>> -> memref<32768xi32, #tpu.memory_space<hbm>>
        tpu.enqueue_dma source(%arg6 : memref<32768xi32, #tpu.memory_space<vmem>>) target(%dma_start3A_75 : memref<32768xi32, #tpu.memory_space<hbm>>) target_semaphore(%run_scoped3A : memref<!tpu.dma_semaphore, #tpu.memory_space<semaphore_mem>>)
        %dma_wait3A = arith.constant 0 : i32
        %dma_wait3A_76 = tpu.memref_slice %arg4[%add3A_11, %dma_wait3A] : memref<64x32768xi32, #tpu.memory_space<hbm>> -> memref<1x32768xi32, #tpu.memory_space<hbm>>
        %dma_wait3A_77 = tpu.memref_squeeze %dma_wait3A_76 : memref<1x32768xi32, #tpu.memory_space<hbm>> -> memref<32768xi32, #tpu.memory_space<hbm>>
        %dma_wait3A_78 = arith.constant 0 : i32
        %dma_wait3A_79 = tpu.memref_slice %arg4[%add3A_11, %dma_wait3A_78] : memref<64x32768xi32, #tpu.memory_space<hbm>> -> memref<1x32768xi32, #tpu.memory_space<hbm>>
        %dma_wait3A_80 = tpu.memref_squeeze %dma_wait3A_79 : memref<1x32768xi32, #tpu.memory_space<hbm>> -> memref<32768xi32, #tpu.memory_space<hbm>>
        tpu.wait_dma2 semaphore(%run_scoped3A : memref<!tpu.dma_semaphore, #tpu.memory_space<semaphore_mem>>) src(%arg6 : memref<32768xi32, #tpu.memory_space<vmem>>) dst(%dma_wait3A_80 : memref<32768xi32, #tpu.memory_space<hbm>>)
        tpu.yield
      }) : () -> ()
      "tpu.region"() ({
        %run_scoped3A = tpu.sem_alloc : memref<!tpu.dma_semaphore, #tpu.memory_space<semaphore_mem>>
        %dma_start3A = arith.constant 0 : i32
        %dma_start3A_71 = tpu.memref_slice %arg3[%add3A_11, %dma_start3A] : memref<64x32768xf32, #tpu.memory_space<hbm>> -> memref<1x32768xf32, #tpu.memory_space<hbm>>
        %dma_start3A_72 = tpu.memref_squeeze %dma_start3A_71 : memref<1x32768xf32, #tpu.memory_space<hbm>> -> memref<32768xf32, #tpu.memory_space<hbm>>
        %dma_start3A_73 = arith.constant 0 : i32
        %dma_start3A_74 = tpu.memref_slice %arg3[%add3A_11, %dma_start3A_73] : memref<64x32768xf32, #tpu.memory_space<hbm>> -> memref<1x32768xf32, #tpu.memory_space<hbm>>
        %dma_start3A_75 = tpu.memref_squeeze %dma_start3A_74 : memref<1x32768xf32, #tpu.memory_space<hbm>> -> memref<32768xf32, #tpu.memory_space<hbm>>
        tpu.enqueue_dma source(%arg7 : memref<32768xf32, #tpu.memory_space<vmem>>) target(%dma_start3A_75 : memref<32768xf32, #tpu.memory_space<hbm>>) target_semaphore(%run_scoped3A : memref<!tpu.dma_semaphore, #tpu.memory_space<semaphore_mem>>)
        %dma_wait3A = arith.constant 0 : i32
        %dma_wait3A_76 = tpu.memref_slice %arg3[%add3A_11, %dma_wait3A] : memref<64x32768xf32, #tpu.memory_space<hbm>> -> memref<1x32768xf32, #tpu.memory_space<hbm>>
        %dma_wait3A_77 = tpu.memref_squeeze %dma_wait3A_76 : memref<1x32768xf32, #tpu.memory_space<hbm>> -> memref<32768xf32, #tpu.memory_space<hbm>>
        %dma_wait3A_78 = arith.constant 0 : i32
        %dma_wait3A_79 = tpu.memref_slice %arg3[%add3A_11, %dma_wait3A_78] : memref<64x32768xf32, #tpu.memory_space<hbm>> -> memref<1x32768xf32, #tpu.memory_space<hbm>>
        %dma_wait3A_80 = tpu.memref_squeeze %dma_wait3A_79 : memref<1x32768xf32, #tpu.memory_space<hbm>> -> memref<32768xf32, #tpu.memory_space<hbm>>
        tpu.wait_dma2 semaphore(%run_scoped3A : memref<!tpu.dma_semaphore, #tpu.memory_space<semaphore_mem>>) src(%arg7 : memref<32768xf32, #tpu.memory_space<vmem>>) dst(%dma_wait3A_80 : memref<32768xf32, #tpu.memory_space<hbm>>)
        tpu.yield
      }) : () -> ()
      %scan3A_70 = arith.constant 0 : i32
      scf.yield %scan3A_70 : i32
    }
    %scan3A_6 = arith.constant 2 : i32
    return
  }
}

</mosaic_0001>

<sc_bundles>
// kernel: kernel.3.cloned.1.call-start
scs
__scs_entry_jumppad:
0x0: {  	(pc) =	sbr.rel $0x88, $3  }
0x1: {  	(tag) =	ssettag $0x0;
	lr =	simm.s32 $0x1  }
0x2: {  	[smem:$0x3FA0] =	sst lr;
	_ =	strace $0xD0000000  }
0x3: {  	_ = 	snop  }
0x4: {  	_ = 	snop  }
0x5: {  	_ = 	snop  }
0x6: {  	_ = 	snop  }
0x7: {  	_ = 	snop  }
__scs_overlays_trampoline_lowered:
0x8: {  	[smem:$0x3FAF] =	sst s0  }
0x9: {  	[smem:$0x3FB0] =	sst s1  }
0xa: {  	[smem:$0x3FB1] =	sst s2  }
0xb: {  	[smem:$0x3FB2] =	sst s3  }
0xc: {  	[smem:$0x3FB3] =	sst s4  }
0xd: {  	[smem:$0x3FB4] =	sst s5  }
0xe: {  	[smem:$0x3FB5] =	sst s6  }
0xf: {  	[smem:$0x3FB6] =	sst s7  }
0x10: {  	[smem:$0x3FB7] =	sst s8  }
0x11: {  	[smem:$0x3FB8] =	sst s9;
	s0 =	simm.s32 @!p0 $0x0  }
0x12: {  	s1 =	sld [smem:$0x3F9E];
	s0 =	simm.s32 @p0 $0x1  }
0x13: {  	[smem:$0x3FB9] =	sst s0;
	s0 =	simm.s32 @!p1 $0x0  }
0x14: {  	s2 =	sld [smem:$0x3F9D];
	s0 =	simm.s32 @p1 $0x1  }
0x15: {  	[smem:$0x3FBA] =	sst s0;
	s0 =	simm.s32 @!p2 $0x0  }
0x16: {  	s3 =	sld [smem:$0x3FDB];
	s0 =	simm.s32 @p2 $0x1  }
0x17: {  	s4 =	simm.s32 $0x1BF5;
	[smem:$0x3FBC] =	sst s0  }
0x18: {  	s0 =	sld [smem:$0x3F9F];
	_ =	swait.ge [sflag:s4], $0x0  }
0x19: {  	s7 =	sld [smem:$0x3FA0]  }
0x1a: {  	s8 =	sadd.s32 $0xFFFFE003, lr  }
0x1b: {  	s9 =	sadd.s32 $0xFFFFFEF7, lr;
	s5 =	simm.s32 $0xFFFFFFFF;
	p2 =	slt.u32 s8, $0xFFFFF086  }
0x1c: {  	p1 =	slt.u32 s9, $0xF7A;
	s5 =	simm.s32 @!p2 $0x0  }
0x1d: {  	s5 =	simm.s32 @p1 $0x1;
	p0 =	seq.s32 s7, s2  }
0x1e: {  	s7 =	smul.u32 @!p0 $0xF7A, s2;
	p2 =	seq.s32 @!p0 s5, $0x0  }
0x1f: {  	s9 =	smul.u32 $0xF7A, s1;
	s8 =	simm.s32 @!p0 $0x1BF5;
	p2 =	por !p2, p0  }
0x20: {  	[sflag:s8] =	ssyncset.s32 @!p0 $0xFFFFF086;
	s6 =	sadd.s32 @!p0 s3, s7;
	s7 =	simm.s32 @!p0 $0x108  }
0x21: {  	s3 =	sadd.s32 s3, s9;
	s6 =	sadd.s32 @!p0 $0x88, s6;
	s7 =	simm.s32 @p2 $0x1082  }
0x22: {  	[simem:s7], [sflag:s8] =	dma.local @!p0 [hbm:s6], $0xF7A  }
0x23: {  	s9 =	sor.u32 $0xD0000000, s2;
	s6 =	simm.s32 $0x108;
	_ =	swait.ge @!p0 [sflag:s8], $0x0  }
0x24: {  	s3 =	sadd.s32 $0x88, s3;
	s6 =	simm.s32 @!p1 $0x1082;
	[sflag:s4] =	ssyncset.s32 $0xFFFFF086  }
0x25: {  	[simem:s6], [sflag:s4] =	dma.local [hbm:s3], $0xF7A  }
0x26: {  	[smem:$0x3FA0] =	sst s1;
	(tag) =	ssettag s2;
	_ =	strace s9  }
0x27: {  	s1 =	sld [smem:$0x3FB0]  }
0x28: {  	s2 =	sld [smem:$0x3FB1]  }
0x29: {  	s4 =	sld [smem:$0x3FB3]  }
0x2a: {  	p0 =	seq.s32 s5, $0x0;
	s5 =	sld [smem:$0x3FB4]  }
0x2b: {  	s6 =	sld [smem:$0x3FB5]  }
0x2c: {  	s7 =	sld [smem:$0x3FB6]  }
0x2d: {  	s3 =	simm.s32 $0x108;
	s8 =	sld [smem:$0x3FB7]  }
0x2e: {  	s3 =	simm.s32 @!p0 $0x1082;
	s9 =	sld [smem:$0x3FB8]  }
0x2f: {  	lr =	sadd.s32 s0, s3;
	s0 =	sld [smem:$0x3FAF]  }
0x30: {  	s3 =	sld [smem:$0x3FB2]  }
0x31: {  	[smem:$0x3FBB] =	sst s10  }
0x32: {  	s10 =	sld [smem:$0x3FB9];
	_ =	sdelay $0x3  }
0x33: {  	p0 =	seq.s32 s10, $0x1;
	s10 =	sld [smem:$0x3FBB];
	_ =	sdelay $0x3  }
0x34: {  	[smem:$0x3FBB] =	sst s10  }
0x35: {  	s10 =	sld [smem:$0x3FBA];
	_ =	sdelay $0x3  }
0x36: {  	p1 =	seq.s32 s10, $0x1;
	s10 =	sld [smem:$0x3FBB];
	_ =	sdelay $0x3  }
0x37: {  	[smem:$0x3FBB] =	sst s10  }
0x38: {  	s10 =	sld [smem:$0x3FBC]  }
0x39: {  	_ = 	snop;
	(pc) =	sbr.ind lr, $3  }
0x3a: {  	_ = 	snop  }
0x3b: {  	_ = 	snop  }
0x3c: {  	p2 =	seq.s32 s10, $0x1;
	s10 =	sld [smem:$0x3FBB]  }
0x3d: {  	_ =	shalt  }
0x3e: {  	_ =	shalt  }
0x3f: {  	_ =	shalt  }
0x40: {  	_ =	shalt  }
0x41: {  	_ =	shalt  }
0x42: {  	_ =	shalt  }
0x43: {  	_ =	shalt  }
0x44: {  	_ =	shalt  }
0x45: {  	_ =	shalt  }
0x46: {  	_ =	shalt  }
0x47: {  	_ =	shalt  }
0x48: {  	_ =	shalt  }
0x49: {  	_ =	shalt  }
0x4a: {  	_ =	shalt  }
0x4b: {  	_ =	shalt  }
0x4c: {  	_ =	shalt  }
0x4d: {  	_ =	shalt  }
0x4e: {  	_ =	shalt  }
0x4f: {  	_ =	shalt  }
0x50: {  	_ =	shalt  }
0x51: {  	_ =	shalt  }
0x52: {  	_ =	shalt  }
0x53: {  	_ =	shalt  }
0x54: {  	_ =	shalt  }
0x55: {  	_ =	shalt  }
0x56: {  	_ =	shalt  }
0x57: {  	_ =	shalt  }
0x58: {  	_ =	shalt  }
0x59: {  	_ =	shalt  }
0x5a: {  	_ =	shalt  }
0x5b: {  	_ =	shalt  }
0x5c: {  	_ =	shalt  }
0x5d: {  	_ =	shalt  }
0x5e: {  	_ =	shalt  }
0x5f: {  	_ =	shalt  }
0x60: {  	_ =	shalt  }
0x61: {  	_ =	shalt  }
0x62: {  	_ =	shalt  }
0x63: {  	_ =	shalt  }
0x64: {  	_ =	shalt  }
0x65: {  	_ =	shalt  }
0x66: {  	_ =	shalt  }
0x67: {  	_ =	shalt  }
0x68: {  	_ =	shalt  }
0x69: {  	_ =	shalt  }
0x6a: {  	_ =	shalt  }
0x6b: {  	_ =	shalt  }
0x6c: {  	_ =	shalt  }
0x6d: {  	_ =	shalt  }
0x6e: {  	_ =	shalt  }
0x6f: {  	_ =	shalt  }
0x70: {  	_ =	shalt  }
0x71: {  	_ =	shalt  }
0x72: {  	_ =	shalt  }
0x73: {  	_ =	shalt  }
0x74: {  	_ =	shalt  }
0x75: {  	_ =	shalt  }
0x76: {  	_ =	shalt  }
0x77: {  	_ =	shalt  }
0x78: {  	_ =	shalt  }
0x79: {  	_ =	shalt  }
0x7a: {  	_ =	shalt  }
0x7b: {  	_ =	shalt  }
0x7c: {  	_ =	shalt  }
0x7d: {  	_ =	shalt  }
0x7e: {  	_ =	shalt  }
0x7f: {  	_ =	shalt  }
0x80: {  	_ =	shalt  }
0x81: {  	_ =	shalt  }
0x82: {  	_ =	shalt  }
0x83: {  	_ =	shalt  }
0x84: {  	_ =	shalt  }
0x85: {  	_ =	shalt  }
0x86: {  	_ =	shalt  }
0x87: {  	_ =	shalt  }
.Lfunc_end0:
.L_simem_size_0:
called_computation_lowered:
.L_overlay_start_0:
0x88: {  	s2 =	sld [smem:$0x3FD9]  }
0x89: {  	s3 =	sld [smem:$0x3FFE];
	_ =	sdelay $0x1  }
0x8a: {  	s1 =	srdreg.scid  }
0x8b: {  	s0 =	sand.u32 $0x1, s1  }
0x8c: {  	s15 =	sshll.u32 s0, $0xA;
	s2 =	sadd.s32 s3, s2  }
0x8d: {  	s2 =	sadd.s32 s2, s15  }
0x8e: {  	[smem:$0x3FC7] =	sst s2  }
0x8f: {  	_ = 	snop  }
0x90: {  	s2 =	sld [smem:$0x3FD0];
	_ =	sdelay $0x2  }
0x91: {  	s4 =	simm.s32 $0xA;
	s5 =	simm.s32 $0x10;
	s16 =	sld [smem:$0x3FC9]  }
0x92: {  	[smem:s5], [sflag:s4] =	dma.local [hbm:s2], $0x1  }
0x93: {  	_ =	swait.eq [sflag:s4], $0x1  }
0x94: {  	[sflag:s4] =	ssyncset.done $0x0  }
0x95: {  	s17 =	sld [smem:$0x10];
	[sflag:s4] =	ssyncadd.s32 $0xFFFFFFFF  }
0x96: {  	s18 =	sld [smem:$0x11];
	(tm) =	ssettm $0x1  }
0x97: {  	s19 =	sld [smem:$0x3FFB];
	_ =	sdelay $0x3  }
0x98: {  	_ =	strace s19  }
0x99: {  	s5 =	sld [smem:$0x3FFC];
	_ =	sdelay $0x3  }
0x9a: {  	_ =	strace s5  }
0x9b: {  	s5 =	sld [smem:$0x3FFD];
	_ =	sdelay $0x3  }
0x9c: {  	_ =	strace s5  }
0x9d: {  	_ =	strace $0x8FFFFFFF  }
0x9e: {  	s20 =	sld [smem:$0x3FDB];
	_ =	sdelay $0x1  }
0x9f: {  	s6 =	simm.s32 $_scs_section_size  }
0xa0: {  	s7 =	simm.s32 $_size__tile_overlayer_lowered;
	s8 =	simm.s32 $_tile_overlayer_lowered  }
0xa1: {  	s23 =	simm.s32 $0x1BFF;
	s22 =	sshll.u32 s8, $0x1;
	s5 =	sadd.s32 s6, s20  }
0xa2: {  	s9 =	simm.s32 $0x0;
	s21 =	sshll.u32 s7, $0x1;
	s7 =	sadd.s32 s22, s5  }
0xa3: {  	[timem:s9], [sflag:s23] =	dma.local [hbm:s7], s21  }
0xa4: {  	_ =	swait.ge [sflag:s23], s21  }
0xa5: {  	s6 =	ssub.s32 $0x0, s21;
	[sflag:s23] =	ssyncset.done $0x0  }
0xa6: {  	[sflag:s23] =	ssyncadd.s32 s6;
	_ =	sdelay $0x1  }
0xa7: {  	s24 =	simm.s32 $0x1B8B  }
0xa8: {  	_ =	swait.ge [sflag:s24], $0x1  }
0xa9: {  	[sflag:s24] =	ssyncset.done $0x0  }
0xaa: {  	s25 =	simm.s32 $0x1B8E;
	[sflag:s24] =	ssyncadd.s32 $0xFFFFFFFF  }
0xab: {  	s26 =	simm.s32 $execute0_lowered;
	[smem:$0x3FD2] =	sst s25  }
0xac: {  	s6 =	sshll.u32 s26, $0x1;
	_ =	strace $0x80000046;
	[dreg:$0x1] =	wrdreg $0xFFFFFFFF  }
0xad: {  	s28 =	simm.s32 $_size_execute0_lowered;
	s5 =	sadd.s32 s5, s6;
	[dreg:$0x0] =	wrdreg $0x0  }
0xae: {  	s6 =	sshll.u32 s28, $0x1;
	[dreg:$0x2] =	wrdreg s5  }
0xaf: {  	[dreg:$0x3] =	wrdreg s6  }
0xb0: {  	[dreg:$0x4] =	wrdreg $0xC0  }
0xb1: {  	_ =	task [dreg:s9], $0x5FFFF  }
0xb2: {  	[dreg:$0x1] =	wrdreg $0xFFFFFFFF  }
0xb3: {  	[dreg:$0x0] =	wrdreg $0x60  }
0xb4: {  	[dreg:$0x2] =	wrdreg s16  }
0xb5: {  	[dreg:$0x3] =	wrdreg s17  }
0xb6: {  	[dreg:$0x4] =	wrdreg s18  }
0xb7: {  	[dreg:$0x5] =	wrdreg $0x9  }
0xb8: {  	_ =	task.clear_ibuf [dreg:s9], $0x6FFFF;
	_ =	strace $0x90000046  }
0xb9: {  	s29 =	simm.s32 $0x9;
	_ =	strace $0x80000048  }
0xba: {  	_ =	swait.ge [sflag:s29], $0x1  }
0xbb: {  	[sflag:s29] =	ssyncadd.s32 $0xFFFFFFFF  }
0xbc: {  	_ =	strace $0x90000048  }
0xbd: {  	_ =	sfence  }
0xbe: {  	s30 =	sld [smem:$0x0];
	_ =	sdelay $0x2  }
0xbf: {  	s31 =	sshll.u32 s1, $0xD;
	s1 =	sshrl.u32 s1, $0x2  }
0xc0: {  	s3 =	sand.u32 $0x4000, s31;
	s1 =	sadd.s32 s1, s30  }
0xc1: {  	s0 =	sor.u32 s3, s0;
	s1 =	sshll.u32 s1, $0x11  }
0xc2: {  	s0 =	sor.u32 s1, s0  }
0xc3: {  	s0 =	sadd.s32 $0x8F2B, s0  }
0xc4: {  	[sflag:s0] =	ssyncadd.remote.s32 $0x1  }
0xc5: {  	_ =	sfence.sel $0xFFFF  }
0xc6: {  	[dreg:$0x0] =	wrdreg $0xFFFFFFFF;
	(pc) =	sbr.abs _section_cstart, $3  }
0xc7: {  	[dreg:$0x1] =	wrdreg $0xFFFFFFFF  }
0xc8: {  	_ =	task.clear_ibuf [dreg:s9], $0x2FFFF;
	_ =	strace $0x9FFFFFFF  }
0xc9: {  	(tm) =	ssettm $0x7FFFFFFF  }
tec
execute0_lowered:
.L_overlay_start_1:
0x0: {  	(tag) =	ssettag $0x1  }
0x1: {  	s1 =	rddreg [dreg:$0x0]  }
0x2: {  	s2 =	rddreg [dreg:$0x1]  }
0x3: {  	s3 =	rddreg [dreg:$0x2]  }
0x4: {  	s4 =	srdreg.scid;
	s0 =	rddreg [dreg:$0x3];
	s5 =	simm.s32 $0x0  }
0x5: {  	s11 =	simm.s32 $0x18000;
	s12 =	simm.s32 $0x8000;
	s13 =	simm.s32 $0x1A000  }
0x6: {  	s14 =	simm.s32 $0x10000;
	s15 =	simm.s32 $0x1C000;
	s16 =	simm.s32 $0x0  }
0x7: {  	s6 =	sand.u32 $0x1, s4;
	s4 =	stileid.u32;
	[smem:$0x7FF] =	sst s5  }
0x8: {  	s7 =	ssub.s32 $0x2, s6;
	s9 =	sshll.u32 s4, $0x5;
	s10 =	sshll.u32 s4, $0xD  }
0x9: {  	s6 =	sshll.u32 s6, $0x4;
	_ =	strace $0x80000047;
	s8 =	sshrl.u32 s7, $0x1  }
0xa: {  	s9 =	sand.u32 $0x60, s9;
	s31 =	sand.u32 $0x18000, s10;
	s10 =	simm.s32 $0x1  }
0xb: {  	s7 =	ssub.s32 s7, s8;
	s6 =	sor.u32 s6, s9;
	s8 =	simm.s32 $0x80  }
0xc: {  	v0 =	vimm.s32 $0x0;
	v1 =	vimm.s32 $0x1;
	v2 =	vlaneseq.u32;
	s9 =	simm.s32 $0x400;
	s6 =	sor.u32 s6, s31;
	s7 =	smax.u32 s7, $0x1  }
.LBB2_1:
0xd: {  	p1 =	por $0x1, $0x1;
	s17 =	simm.s32 $0x0  }
.LBB2_2:
0xe: {  	s17 =	sor.u32 s6, s17  }
0xf: {  	s19 =	simm.s32 $0x0;
	s18 =	sadd.s32 s1, s17  }
0x10: {  	[tilespmem:s19], [sflag:$0x1] =	stream.strided.gather [hbm4b:s18+s8], $0x8000, s9, s8, $0x38;
	[tilespmem:$0x1D000] =	vst v63  }
0x11: {  	_ =	swait.ge [sflag:s10], $0x8000  }
0x12: {  	p0 =	por p1, p1;
	[sflag:s10] =	ssyncset.done $0x0  }
0x13: {  	s18 =	simm.s32 $0x40;
	s19 =	simm.s32 $0x0;
	[sflag:s10] =	ssyncadd.s32 $0xFFFF8000  }
.LBB2_3:
0x14: {  	p1 =	sne.s32 s18, $0x3FC0;
	[tilespmem:s19+$0x1C000] =	vst v0;
	s20 =	smov.u32 s18;
	s18 =	sadd.s32 $0x40, s18  }
.Ltmp0:
0x15: {  	[tilespmem:s19+$0x18000] =	vst v0;
	(pc) =	sbr.rel @p1 .LBB2_3-.Ltmp0, $2  }
0x16: {  	[tilespmem:s19+$0x1A000] =	vst v0;
	_ =	sdelay $0x2  }
0x17: {  	s19 =	sshra.s32 s20, $0x2  }
0x18: {  	[tilespmem:s19+$0x1C000] =	vst v0  }
0x19: {  	[tilespmem:s19+$0x18000] =	vst v0  }
0x1a: {  	[tilespmem:s19+$0x1A000] =	vst v0;
	s19 =	simm.s32 $0x40;
	s20 =	simm.s32 $0x0  }
.LBB2_5:
0x1b: {  	p1 =	sne.s32 s19, $0x3FC0;
	[tilespmem:s20+$0x19000] =	vst v0;
	s18 =	smov.u32 s19;
	s19 =	sadd.s32 $0x40, s19  }
.Ltmp1:
0x1c: {  	[tilespmem:s20+$0x1B000] =	vst v0;
	(pc) =	sbr.rel @p1 .LBB2_5-.Ltmp1, $2  }
0x1d: {  	_ =	sdelay $0x2  }
0x1e: {  	s20 =	sshra.s32 s18, $0x2;
	s18 =	simm.s32 $0x0  }
0x1f: {  	[tilespmem:s20+$0x19000] =	vst v0  }
0x20: {  	[tilespmem:s20+$0x1B000] =	vst v0;
	s19 =	sand.u32 $0x1FE0, s18  }
0x21: {  	v3 =	vld [tilespmem:s19+$0x2000]  }
0x22: {  	v5 =	vld [tilespmem:s19+$0x6000]  }
0x23: {  	v4 =	vld [tilespmem:s18+$0x6010]  }
0x24: {  	v6 =	vld [tilespmem:s18+$0x0]  }
0x25: {  	v7 =	vld [tilespmem:s18+$0x10];
	_ =	sdelay $0x1  }
0x26: {  	s20 =	simm.s32 $0x20;
	vm0 =	vlt.s32 v3, $0x0  }
0x27: {  	v20 =	vld [tilespmem:s20+$0x6010];
	v8 =	vxor.u32 $0xFFFFFFFF, v3;
	v3 =	vor.u32 $0x80000000, v3;
	vm1 =	vlt.s32 v5, $0x0  }
0x28: {  	v15 =	vld [tilespmem:s19+$0x4000];
	v11 =	vxor.u32 $0xFFFFFFFF, v4;
	v13 =	vor.u32 $0x80000000, v4;
	vm2 =	vlt.s32 v6, $0x0  }
0x29: {  	v14 =	vld [tilespmem:s18+$0x4010];
	v10 =	vxor.u32 $0xFFFFFFFF, v6;
	v6 =	vor.u32 $0x80000000, v6;
	vm3 =	vlt.s32 v7, $0x0  }
0x2a: {  	s21 =	sand.u32 $0x1FE0, s20;
	v12 =	vxor.u32 $0xFFFFFFFF, v7;
	v7 =	vor.u32 $0x80000000, v7;
	v9 =	vsel vm0, v8, v3;
	v8 =	vld [tilespmem:s18+$0x2010]  }
0x2b: {  	v21 =	vor.u32 $0x80000000, v5;
	v22 =	vxor.u32 $0xFFFFFFFF, v5;
	vm0 =	vlt.s32 v4, $0x0;
	v4 =	vld [tilespmem:s21+$0x2000]  }
0x2c: {  	v5 =	vxor.u32 $0xFFFFFFFF, v20;
	vm1 =	vmmov vm1;
	v6 =	vsel vm2, v10, v6  }
0x2d: {  	v3 =	vand.u32 $0x7FF, v9;
	v18 =	vand.u32 $0x7FF, v6;
	[tilespmem:s18+$0x0] =	vst v6;
	v6 =	vxor.u32 $0xFFFFFFFF, v15  }
0x2e: {  	v13 =	vsel vm0, v11, v13;
	v17 =	vor.u32 $0x800, v3;
	v3 =	vsel vm3, v12, v7  }
0x2f: {  	v12 =	vor.u32 $0x80000000, v14;
	v16 =	vand.u32 $0x7FF, v3;
	v7 =	vor.u32 $0x80000000, v8  }
0x30: {  	vm2 =	vlt.s32 v8, $0x0;
	v8 =	vxor.u32 $0xFFFFFFFF, v8;
	vm3 =	vlt.s32 v4, $0x0  }
0x31: {  	s23 =	simm.s32 $0x18000;
	[tilespmem:s18+$0x10] =	vst v3;
	v3 =	vld [tilespmem:s21+$0x6000];
	v19 =	vsel vm2, v8, v7;
	v7 =	vxor.u32 $0xFFFFFFFF, v4;
	v4 =	vor.u32 $0x80000000, v4  }
0x32: {  	vm2 =	vlt.s32 v14, $0x0;
	v14 =	vxor.u32 $0xFFFFFFFF, v14;
	[tilespmem:v18+s23+$0x0] =	vst.idx.add.s32.msk $0xffff, v1;
	v8 =	vand.u32 $0x7FF, v19  }
0x33: {  	v4 =	vsel vm3, v7, v4;
	v7 =	vld [tilespmem:s20+$0x10];
	v12 =	vsel vm2, v14, v12;
	v10 =	vor.u32 $0x800, v8  }
0x34: {  	vm2 =	vlt.s32 v15, $0x0;
	[tilespmem:v16+s23+$0x0] =	vst.idx.add.s32.msk $0xffff, v1;
	v14 =	vand.u32 $0x7FF, v12;
	v16 =	vor.u32 $0x80000000, v15  }
0x35: {  	vm0 =	vlt.s32 v20, $0x0;
	[tilespmem:s19+$0x2000] =	vst v9;
	v15 =	vld [tilespmem:s20+$0x0];
	v11 =	vsel vm2, v6, v16;
	v16 =	vor.u32 $0x1000, v14  }
0x36: {  	s24 =	simm.s32 $0x2;
	v9 =	vsel vm1, v22, v21;
	v8 =	vand.u32 $0x7FF, v4;
	[tilespmem:v17+s23+$0x0] =	vst.idx.add.s32.msk $0xffff, v1;
	v17 =	vand.u32 $0x7FF, v13  }
0x37: {  	s26 =	simm.s32 $0x40;
	s22 =	simm.s32 $0x18000;
	s25 =	simm.s32 $0x0;
	vm2 =	vlt.s32 v3, $0x0;
	v14 =	vld [tilespmem:s20+$0x2010];
	v6 =	vor.u32 $0x80000000, v20;
	[tilespmem:s18+$0x2010] =	vst v19;
	v18 =	vand.u32 $0x7FF, v11  }
.LBB2_7:
0x38: {  	s28 =	sand.u32 $0x1FE0, s26;
	s24 =	sadd.s32 $0x2, s24;
	v18 =	vor.u32 $0x1000, v18;
	v19 =	vand.u32 $0x7FF, v9;
	[tilespmem:v10+s22+$0x0] =	vst.idx.add.s32.msk $0xffff, v1;
	vm1 =	vmmov vm2  }
0x39: {  	v20 =	vor.u32 $0x800, v8;
	v17 =	vor.u32 $0x1800, v17;
	v10 =	vld [tilespmem:s28+$0x2000];
	p1 =	slt.u32 s24, $0x1FE;
	v19 =	vor.u32 $0x1800, v19;
	[tilespmem:s25+$0x4010] =	vst v12  }
0x3a: {  	vm2 =	vlt.s32 v15, $0x0;
	v8 =	vxor.u32 $0xFFFFFFFF, v15;
	v12 =	vor.u32 $0x80000000, v15;
	[tilespmem:v16+s22+$0x0] =	vst.idx.add.s32.msk $0xffff, v1  }
0x3b: {  	vm3 =	vlt.s32 v7, $0x0;
	v15 =	vxor.u32 $0xFFFFFFFF, v7;
	v7 =	vor.u32 $0x80000000, v7;
	v16 =	vld [tilespmem:s20+$0x4010];
	[tilespmem:s25+$0x6010] =	vst v13;
	s25 =	smov.u32 s20  }
0x3c: {  	v8 =	vsel vm2, v8, v12;
	v12 =	vsel vm3, v15, v7;
	s20 =	sadd.s32 $0x20, s20;
	v13 =	vld [tilespmem:s21+$0x4000];
	v15 =	vor.u32 $0x80000000, v14;
	[tilespmem:s19+$0x4000] =	vst v11  }
0x3d: {  	vm2 =	vlt.s32 v14, $0x0;
	v11 =	vxor.u32 $0xFFFFFFFF, v14;
	v14 =	vand.u32 $0x7FF, v12;
	v7 =	vld [tilespmem:s20+$0x10];
	[tilespmem:s25+$0x10] =	vst v12  }
0x3e: {  	v22 =	vand.u32 $0x7FF, v8;
	v23 =	vsel vm2, v11, v15;
	vm3 =	vlt.s32 v10, $0x0;
	v21 =	vld [tilespmem:s28+$0x6000];
	[tilespmem:s25+$0x0] =	vst v8  }
0x3f: {  	v8 =	vxor.u32 $0xFFFFFFFF, v10;
	v10 =	vor.u32 $0x80000000, v10;
	v11 =	vand.u32 $0x7FF, v23;
	[tilespmem:v18+s22+$0x0] =	vst.idx.add.s32.msk $0xffff, v1  }
0x40: {  	v18 =	vsel vm3, v8, v10;
	v10 =	vor.u32 $0x800, v11;
	v24 =	vld [tilespmem:s20+$0x6010];
	v12 =	vor.u32 $0x80000000, v16;
	[tilespmem:s19+$0x6000] =	vst v9;
	s19 =	smov.u32 s21;
	s21 =	smov.u32 s28  }
0x41: {  	v8 =	vand.u32 $0x7FF, v18;
	vm2 =	vlt.s32 v16, $0x0;
	v9 =	vxor.u32 $0xFFFFFFFF, v16;
	[tilespmem:v19+s22+$0x0] =	vst.idx.add.s32.msk $0xffff, v1  }
0x42: {  	v19 =	vor.u32 $0x80000000, v3;
	v12 =	vsel vm2, v9, v12;
	[tilespmem:v14+s23+$0x0] =	vst.idx.add.s32.msk $0xffff, v1  }
.Ltmp2:
0x43: {  	vm2 =	vlt.s32 v13, $0x0;
	v9 =	vxor.u32 $0xFFFFFFFF, v13;
	v14 =	vand.u32 $0x7FF, v12;
	[tilespmem:v17+s22+$0x0] =	vst.idx.add.s32.msk $0xffff, v1;
	s22 =	smov.u32 s23;
	(pc) =	sbr.rel @p1 .LBB2_7-.Ltmp2, $4  }
0x44: {  	v11 =	vor.u32 $0x80000000, v13;
	v13 =	vsel vm0, v5, v6;
	v17 =	vxor.u32 $0xFFFFFFFF, v3;
	v3 =	vmovc v21;
	[tilespmem:v22+s22+$0x0] =	vst.idx.add.s32.msk $0xffff, v1  }
0x45: {  	v11 =	vsel vm2, v9, v11;
	v16 =	vor.u32 $0x1000, v14;
	v15 =	vld [tilespmem:s20+$0x0];
	vm0 =	vlt.s32 v24, $0x0;
	[tilespmem:s19+$0x2000] =	vst v4;
	v4 =	vmovc v18  }
0x46: {  	vm2 =	vlt.s32 v3, $0x0;
	v5 =	vxor.u32 $0xFFFFFFFF, v24;
	v18 =	vand.u32 $0x7FF, v11;
	[tilespmem:v20+s22+$0x0] =	vst.idx.add.s32.msk $0xffff, v1  }
0x47: {  	s26 =	sadd.s32 $0x20, s26;
	v9 =	vsel vm1, v17, v19;
	v17 =	vand.u32 $0x7FF, v13;
	v6 =	vor.u32 $0x80000000, v24;
	v14 =	vld [tilespmem:s20+$0x2010];
	[tilespmem:s25+$0x2010] =	vst v23  }
0x48: {  	_ =	sdelay $0x3  }
0x49: {  	[tilespmem:v10+s22+$0x0] =	vst.idx.add.s32.msk $0xffff, v1  }
0x4a: {  	v10 =	vand.u32 $0x7FF, v9;
	[tilespmem:s19+$0x4000] =	vst v11  }
0x4b: {  	vm3 =	vlt.s32 v7, $0x0;
	[tilespmem:s25+$0x4010] =	vst v12;
	v12 =	vor.u32 $0x1000, v18;
	v10 =	vor.u32 $0x1800, v10  }
0x4c: {  	vm1 =	vlt.s32 v15, $0x0;
	[tilespmem:v16+s22+$0x0] =	vst.idx.add.s32.msk $0xffff, v1;
	v16 =	vxor.u32 $0xFFFFFFFF, v7;
	v7 =	vor.u32 $0x80000000, v7  }
0x4d: {  	[tilespmem:s25+$0x6010] =	vst v13;
	v13 =	vxor.u32 $0xFFFFFFFF, v15;
	v15 =	vor.u32 $0x80000000, v15;
	v7 =	vsel vm3, v16, v7  }
0x4e: {  	v18 =	vld [tilespmem:s20+$0x4010];
	v11 =	vsel vm1, v13, v15;
	[tilespmem:s20+$0x10] =	vst v7;
	v7 =	vand.u32 $0x7FF, v7  }
0x4f: {  	v13 =	vld [tilespmem:s21+$0x4000];
	v15 =	vor.u32 $0x1800, v17;
	[tilespmem:s20+$0x0] =	vst v11  }
0x50: {  	v11 =	vand.u32 $0x7FF, v11;
	[tilespmem:v12+s22+$0x0] =	vst.idx.add.s32.msk $0xffff, v1  }
0x51: {  	[tilespmem:s19+$0x6000] =	vst v9  }
0x52: {  	v16 =	vor.u32 $0x80000000, v14;
	vm13 =	vlt.s32 v14, $0x0;
	v14 =	vxor.u32 $0xFFFFFFFF, v14;
	s19 =	simm.s32 $0x18000;
	[tilespmem:v10+s22+$0x0] =	vst.idx.add.s32.msk $0xffff, v1  }
0x53: {  	v8 =	vor.u32 $0x800, v8;
	v12 =	vsel vm13, v14, v16;
	vm14 =	vlt.s32 v18, $0x0;
	[tilespmem:v7+s19+$0x0] =	vst.idx.add.s32.msk $0xffff, v1  }
0x54: {  	v14 =	vxor.u32 $0xFFFFFFFF, v18;
	v9 =	vand.u32 $0x7FF, v12;
	v10 =	vor.u32 $0x80000000, v18;
	[tilespmem:v15+s22+$0x0] =	vst.idx.add.s32.msk $0xffff, v1  }
0x55: {  	v7 =	vor.u32 $0x800, v9;
	v9 =	vsel vm14, v14, v10;
	vm15 =	vlt.s32 v13, $0x0;
	[tilespmem:v11+s19+$0x0] =	vst.idx.add.s32.msk $0xffff, v1  }
0x56: {  	v10 =	vand.u32 $0x7FF, v9;
	v11 =	vxor.u32 $0xFFFFFFFF, v13;
	v13 =	vor.u32 $0x80000000, v13;
	[tilespmem:s20+$0x2010] =	vst v12  }
0x57: {  	vm2 =	vmmov vm2;
	[tilespmem:s21+$0x2000] =	vst v4;
	v4 =	vor.u32 $0x1000, v10;
	v10 =	vsel vm15, v11, v13  }
0x58: {  	[tilespmem:v8+s19+$0x0] =	vst.idx.add.s32.msk $0xffff, v1;
	v8 =	vor.u32 $0x80000000, v3;
	v3 =	vxor.u32 $0xFFFFFFFF, v3;
	v11 =	vand.u32 $0x7FF, v10  }
0x59: {  	v3 =	vsel vm2, v3, v8;
	v8 =	vor.u32 $0x1000, v11;
	[tilespmem:s21+$0x4000] =	vst v10  }
0x5a: {  	v5 =	vsel vm0, v5, v6;
	[tilespmem:v7+s19+$0x0] =	vst.idx.add.s32.msk $0xffff, v1;
	v6 =	vand.u32 $0x7FF, v3  }
0x5b: {  	v7 =	vand.u32 $0x7FF, v5;
	[tilespmem:s20+$0x4010] =	vst v9;
	v6 =	vor.u32 $0x1800, v6  }
0x5c: {  	[tilespmem:v4+s19+$0x0] =	vst.idx.add.s32.msk $0xffff, v1;
	v4 =	vor.u32 $0x1800, v7  }
0x5d: {  	[tilespmem:s20+$0x6010] =	vst v5  }
0x5e: {  	[tilespmem:v8+s19+$0x0] =	vst.idx.add.s32.msk $0xffff, v1  }
0x5f: {  	[tilespmem:s21+$0x6000] =	vst v3  }
0x60: {  	[tilespmem:v6+s19+$0x0] =	vst.idx.add.s32.msk $0xffff, v1  }
0x61: {  	[tilespmem:v4+s19+$0x0] =	vst.idx.add.s32.msk $0xffff, v1  }
0x62: {  	s24 =	sand.u32 $0x7E0, s18;
	v4 =	vld [tilespmem:s19+$0x0]  }
0x63: {  	v16 =	vld [tilespmem:s24+$0x18800]  }
0x64: {  	v17 =	vld [tilespmem:s24+$0x19000]  }
0x65: {  	v3 =	vld [tilespmem:s24+$0x19800];
	_ =	sdelay $0x1  }
0x66: {  	v24 =	vld [tilespmem:s19+$0x10]  }
0x67: {  	v28 =	vld [tilespmem:s19+$0x810];
	v6 =	vadd.s32 v4, v16  }
0x68: {  	v8 =	vld [tilespmem:s19+$0x1010];
	v6 =	vadd.s32 v17, v6  }
0x69: {  	v5 =	vld [tilespmem:s19+$0x1810];
	v15 =	vadd.s32 v3, v6  }
0x6a: {  	(xrf0) =	vadd.scan.msk.s32 $0xffff, v15;
	_ =	sdelay $0x1  }
0x6b: {  	s20 =	simm.s32 $0x18020;
	v7 =	vadd.s32 v24, v28  }
0x6c: {  	s30 =	simm.s32 $0x20;
	v9 =	vld [tilespmem:s20+$0x10];
	v3 =	vadd.s32 v8, v7  }
0x6d: {  	s23 =	sand.u32 $0x7E0, s30;
	v27 =	vld [tilespmem:s20+$0x0];
	v20 =	vadd.s32 v5, v3  }
0x6e: {  	v19 =	vld [tilespmem:s23+$0x18800];
	(xrf0) =	vadd.scan.msk.s32 $0xffff, v20  }
0x6f: {  	v18 =	vld [tilespmem:s23+$0x19000];
	v7, _, _ =	vpop (xrf0)  }
0x70: {  	v6 =	vld [tilespmem:s20+$0x810];
	(v2sf) =	vpush v7, $0xF  }
0x71: {  	v3 =	vld [tilespmem:s20+$0x1010]  }
0x72: {  	v5 =	vld [tilespmem:s23+$0x19800]  }
0x73: {  	v10 =	vld [tilespmem:s20+$0x1810]  }
0x74: {  	s31 =	simm.s32 $0x40;
	s21 =	simm.s32 $0x18040;
	v22, _, _ =	vpop (xrf0)  }
0x75: {  	s22 =	sand.u32 $0x7E0, s31;
	v13 =	vld [tilespmem:s21+$0x0];
	v11 =	vadd.s32 v27, v19;
	(v2sf) =	vpush v22, $0xF  }
0x76: {  	v12 =	vld [tilespmem:s22+$0x18800];
	v11 =	vadd.s32 v18, v11;
	v21 =	vadd.s32 v9, v6  }
0x77: {  	v14 =	vld [tilespmem:s22+$0x19000];
	v23 =	vadd.s32 v5, v11;
	v11 =	vadd.s32 v3, v21  }
0x78: {  	v21 =	vld [tilespmem:s22+$0x19800];
	v25 =	vadd.s32 v10, v11;
	(xrf0) =	vadd.scan.msk.s32 $0xffff, v23  }
0x79: {  	v11 =	vld [tilespmem:s21+$0x10];
	(xrf0) =	vadd.scan.msk.s32 $0xffff, v25  }
0x7a: {  	v10 =	vld [tilespmem:s21+$0x810]  }
0x7b: {  	v26 =	vadd.s32 v13, v12;
	v5 =	vld [tilespmem:s21+$0x1010];
	v7 =	vsub.s32 v7, v15  }
0x7c: {  	v29 =	vld [tilespmem:s21+$0x1810];
	v15 =	vadd.s32 v14, v26;
	v26 =	vadd.s32 s18, v7  }
0x7d: {  	v30 =	vadd.s32 v4, v26  }
0x7e: {  	v22 =	vsub.s32 v22, v20;
	[tilespmem:s19+$0x0] =	vst v26;
	v21 =	vadd.s32 v21, v15;
	v26 =	vadd.s32 v16, v30;
	v31, _, _ =	vpop (xrf0)  }
0x7f: {  	s25 =	simm.s32 $0x18060;
	v16 =	vadd.s32 v17, v26;
	v17 =	vadd.s32 v11, v10;
	(v2sf) =	vpush v31, $0xF;
	v32, _, _ =	vpop (xrf0);
	s28 =	spop (v2sf)  }
0x80: {  	v7 =	vld [tilespmem:s25+$0x1010];
	[tilespmem:s24+$0x18800] =	vst v30;
	v30 =	vsub.s32 v31, v23;
	v31 =	vadd.s32 v5, v17;
	(v2sf) =	vpush v32, $0xF;
	s28 =	sadd.s32 $0x0, s28  }
0x81: {  	v20 =	vld [tilespmem:s25+$0x0];
	(xrf0) =	vadd.scan.msk.s32 $0xffff, v21;
	v63 =	vadd.s32 s28, v22;
	v22 =	vadd.s32 v29, v31  }
0x82: {  	s26 =	simm.s32 $0x60;
	v4 =	vld [tilespmem:s25+$0x10];
	(xrf0) =	vadd.scan.msk.s32 $0xffff, v22  }
0x83: {  	s18 =	sand.u32 $0x7E0, s26;
	v15 =	vld [tilespmem:s25+$0x810]  }
0x84: {  	[tilespmem:s24+$0x19800] =	vst v16;
	v16 =	vld [tilespmem:s18+$0x18800];
	s29 =	spop (v2sf)  }
0x85: {  	[tilespmem:s24+$0x19000] =	vst v26;
	v17 =	vld [tilespmem:s18+$0x19000];
	s28 =	sadd.s32 s28, s29  }
0x86: {  	v23 =	vsub.s32 v32, v25;
	v25 =	vld [tilespmem:s18+$0x19800];
	v26 =	vadd.s32 s28, v30;
	[tilespmem:s19+$0x10] =	vst v63;
	v30 =	vadd.s32 v24, v63  }
0x87: {  	s24 =	simm.s32 $0x18060;
	s29 =	simm.s32 $0x6;
	v29, _, _ =	vpop (xrf0);
	v24 =	vld [tilespmem:s25+$0x1810];
	v27 =	vadd.s32 v27, v26;
	[tilespmem:s19+$0x810] =	vst v30;
	v28 =	vadd.s32 v28, v30  }
.LBB2_9:
0x88: {  	v31 =	vsub.s32 v29, v21;
	(v2sf) =	vpush v29, $0xF;
	v29, _, _ =	vpop (xrf0)  }
0x89: {  	s29 =	sadd.s32 $0x2, s29;
	v30 =	vadd.s32 v20, v16;
	s25 =	sadd.s32 $0x20, s25;
	[tilespmem:s19+$0x1010] =	vst v28;
	v32 =	vmovc v10;
	v10 =	vmovc v15;
	v33 =	vmov v13;
	v13 =	vmov v20  }
0x8a: {  	v34 =	vld [tilespmem:s25+$0x1010];
	p1 =	slt.u32 s29, $0x7E;
	v15 =	vadd.s32 v17, v30;
	v20 =	vadd.s32 v4, v10;
	(v2sf) =	vpush v29, $0xF;
	[tilespmem:s20+$0x0] =	vst v26  }
0x8b: {  	v26 =	vsub.s32 v29, v22;
	v30 =	vld [tilespmem:s25+$0x10];
	v21 =	vadd.s32 v25, v15;
	v20 =	vadd.s32 v7, v20;
	[tilespmem:s23+$0x18800] =	vst v27  }
0x8c: {  	s26 =	sadd.s32 $0x20, s26;
	v15 =	vld [tilespmem:s25+$0x810];
	v22 =	vadd.s32 v24, v20;
	(xrf0) =	vadd.scan.msk.s32 $0xffff, v21;
	v24 =	vadd.s32 v19, v27;
	v27 =	vadd.s32 v8, v28  }
0x8d: {  	s30 =	sand.u32 $0x7E0, s26;
	v8 =	vmovc v3;
	v3 =	vmov v5;
	v20 =	vld [tilespmem:s25+$0x0];
	(xrf0) =	vadd.scan.msk.s32 $0xffff, v22;
	v25 =	vadd.s32 v18, v24;
	[tilespmem:s19+$0x1810] =	vst v27;
	s19 =	smov.u32 s20;
	s20 =	smov.u32 s21  }
.Ltmp3:
0x8e: {  	v5 =	vmovc v7;
	v19 =	vmovc v12;
	v12 =	vmov v16;
	v18 =	vmov v14;
	v14 =	vmov v17;
	s21 =	smov.u32 s24;
	[tilespmem:s23+$0x19800] =	vst v25;
	s31 =	spop (v2sf);
	v16 =	vld [tilespmem:s30+$0x18800];
	(pc) =	sbr.rel @p1 .LBB2_9-.Ltmp3, $4  }
0x8f: {  	s24 =	smov.u32 s25;
	v17 =	vld [tilespmem:s30+$0x19000];
	[tilespmem:s23+$0x19000] =	vst v24;
	s23 =	sadd.s32 s28, s31;
	s28 =	spop (v2sf);
	v7 =	vmov v34  }
0x90: {  	v25 =	vld [tilespmem:s30+$0x19800];
	v27 =	vadd.s32 s23, v23;
	s28 =	sadd.s32 s23, s28;
	v23 =	vmov v26;
	s23 =	smov.u32 s22  }
0x91: {  	s22 =	smov.u32 s18;
	s18 =	smov.u32 s30;
	v24 =	vld [tilespmem:s25+$0x1810];
	v26 =	vadd.s32 s28, v31;
	[tilespmem:s19+$0x10] =	vst v27;
	v28 =	vadd.s32 v9, v27;
	v9 =	vmovc v11;
	v11 =	vmovc v4;
	v4 =	vmov v30  }
0x92: {  	v29, _, _ =	vpop (xrf0);
	v27 =	vadd.s32 v33, v26;
	[tilespmem:s19+$0x810] =	vst v28;
	v28 =	vadd.s32 v6, v28;
	v6 =	vmov v32  }
0x93: {  	v30 =	vadd.s32 v20, v16  }
0x94: {  	v30 =	vadd.s32 v17, v30  }
0x95: {  	(v2sf) =	vpush v29, $0xF;
	v25 =	vadd.s32 v25, v30  }
0x96: {  	v52, _, _ =	vpop (xrf0);
	(xrf0) =	vadd.scan.msk.s32 $0xffff, v25  }
0x97: {  	(v2sf) =	vpush v52, $0xF;
	_ =	sdelay $0x1  }
0x98: {  	v31 =	vadd.s32 v4, v15;
	[tilespmem:s19+$0x1010] =	vst v28  }
0x99: {  	[tilespmem:s20+$0x0] =	vst v26;
	v31 =	vadd.s32 v7, v31  }
0x9a: {  	v8 =	vadd.s32 v8, v28;
	[tilespmem:s23+$0x18800] =	vst v27;
	v24 =	vadd.s32 v24, v31  }
0x9b: {  	v19 =	vadd.s32 v19, v27;
	[tilespmem:s19+$0x1810] =	vst v8;
	(xrf0) =	vadd.scan.msk.s32 $0xffff, v24;
	s25 =	spop (v2sf);
	v53, _, _ =	vpop (xrf0)  }
0x9c: {  	v18 =	vadd.s32 v18, v19;
	[tilespmem:s23+$0x19000] =	vst v19;
	s19 =	sadd.s32 s28, s25;
	(v2sf) =	vpush v53, $0xF  }
0x9d: {  	[tilespmem:s23+$0x19800] =	vst v18;
	v54 =	vadd.s32 s19, v23  }
0x9e: {  	s26 =	spop (v2sf);
	[tilespmem:s20+$0x10] =	vst v54;
	v9 =	vadd.s32 v9, v54  }
0x9f: {  	v55 =	vsub.s32 v29, v21;
	s19 =	sadd.s32 s19, s26;
	[tilespmem:s20+$0x810] =	vst v9;
	v6 =	vadd.s32 v6, v9  }
0xa0: {  	v56 =	vadd.s32 s19, v55;
	[tilespmem:s20+$0x1010] =	vst v6  }
0xa1: {  	v13 =	vadd.s32 v13, v56;
	[tilespmem:s21+$0x0] =	vst v56;
	v57, _, _ =	vpop (xrf0)  }
0xa2: {  	v3 =	vadd.s32 v3, v6;
	[tilespmem:s22+$0x18800] =	vst v13;
	(v2sf) =	vpush v57, $0xF  }
0xa3: {  	v58 =	vadd.s32 v12, v13;
	[tilespmem:s20+$0x1810] =	vst v3;
	s28 =	spop (v2sf)  }
0xa4: {  	v3 =	vsub.s32 v52, v22;
	v59 =	vadd.s32 v14, v58;
	[tilespmem:s22+$0x19000] =	vst v58;
	s19 =	sadd.s32 s19, s28  }
0xa5: {  	[tilespmem:s22+$0x19800] =	vst v59;
	s29 =	spop (v2sf);
	v3 =	vadd.s32 s19, v3  }
0xa6: {  	v60 =	vsub.s32 v53, v25;
	s19 =	sadd.s32 s19, s29;
	[tilespmem:s21+$0x10] =	vst v3;
	v3 =	vadd.s32 v11, v3  }
0xa7: {  	v6 =	vadd.s32 s19, v60;
	[tilespmem:s21+$0x810] =	vst v3  }
0xa8: {  	v3 =	vadd.s32 v10, v3;
	[tilespmem:s24+$0x0] =	vst v6  }
0xa9: {  	v61 =	vadd.s32 v20, v6;
	[tilespmem:s21+$0x1010] =	vst v3  }
0xaa: {  	[tilespmem:s18+$0x18800] =	vst v61;
	v3 =	vadd.s32 v5, v3  }
0xab: {  	v62 =	vadd.s32 v16, v61;
	[tilespmem:s21+$0x1810] =	vst v3;
	s30 =	spop (v2sf)  }
0xac: {  	v63 =	vadd.s32 v17, v62;
	v3 =	vsub.s32 v57, v24;
	[tilespmem:s18+$0x19000] =	vst v62;
	s19 =	sadd.s32 s19, s30  }
0xad: {  	[tilespmem:s18+$0x19800] =	vst v63;
	v3 =	vadd.s32 s19, v3  }
0xae: {  	[tilespmem:s24+$0x10] =	vst v3;
	v3 =	vadd.s32 v4, v3  }
0xaf: {  	[tilespmem:s24+$0x810] =	vst v3;
	v3 =	vadd.s32 v15, v3  }
0xb0: {  	s20 =	simm.s32 $0x0;
	[tilespmem:s24+$0x1010] =	vst v3;
	v3 =	vadd.s32 v7, v3  }
0xb1: {  	s22 =	simm.s32 $0x0;
	s31 =	spop (v2sf);
	s19 =	simm.s32 $0x0;
	[tilespmem:s24+$0x1810] =	vst v3  }
.LBB2_11:
0xb2: {  	s24 =	sadd.s32 $0x2000, s20  }
0xb3: {  	v3 =	vld [tilespmem:s19+$0x0];
	s25 =	sand.u32 $0x70, s20;
	s18 =	sand.u32 $0x3F80, s24  }
0xb4: {  	s18 =	sor.u32 s25, s18  }
0xb5: {  	s21 =	sadd.s32 $0x4000, s20;
	v4 =	vld [tilespmem:s18+$0x0]  }
0xb6: {  	s30 =	sand.u32 $0x5F80, s21  }
0xb7: {  	s18 =	sor.u32 s25, s30  }
0xb8: {  	s23 =	sadd.s32 $0x6000, s20;
	v6 =	vld [tilespmem:s18+$0x0];
	v5 =	vand.u32 $0x7FF, v3  }
0xb9: {  	s31 =	sand.u32 $0x7F80, s23;
	(xrf1) =	vunique.msk.u32 $0xffff, v5  }
0xba: {  	s18 =	sor.u32 s25, s31;
	v7 =	vand.u32 $0x7FF, v4  }
0xbb: {  	v8 =	vld [tilespmem:s18+$0x0];
	v7 =	vor.u32 $0x800, v7  }
0xbc: {  	(xrf1) =	vunique.msk.u32 $0xffff, v7  }
0xbd: {  	v9 =	vand.u32 $0x7FF, v6  }
0xbe: {  	v9 =	vor.u32 $0x1000, v9  }
0xbf: {  	(xrf1) =	vunique.msk.u32 $0xffff, v9  }
0xc0: {  	v10 =	vand.u32 $0x7F, v4;
	v7 =	vand.u32 $0xF80, v7;
	v11 =	vand.u32 $0x7FF, v8  }
0xc1: {  	v7 =	vor.u32 v10, v7;
	v46 =	vor.u32 $0x1800, v11  }
0xc2: {  	(xrf1) =	vunique.msk.u32 $0xffff, v46  }
0xc3: {  	v12 =	vand.u32 $0x7F, v6;
	v47 =	vld.idx.msk [tilespmem:v5+s11+$0x0], $0xffff;
	v9 =	vand.u32 $0x1780, v9  }
0xc4: {  	v9 =	vor.u32 v12, v9;
	_ =	sdelay $0x1  }
0xc5: {  	v13 =	vand.u32 $0x7F, v8;
	v10 =	vand.u32 $0x1F80, v46;
	v48 =	vld.idx.msk [tilespmem:v7+s11+$0x0], $0xffff  }
0xc6: {  	v10 =	vor.u32 v13, v10;
	_, v14, _ =	vpop (xrf1)  }
0xc7: {  	v11 =	vadd.s32 v14, v47  }
0xc8: {  	v49 =	vld.idx.msk [tilespmem:v9+s11+$0x0], $0xffff;
	v11 =	vadd.s32 $0xFFFFFFFF, v11  }
0xc9: {  	v3 =	vshrl.u32 v3, $0xB;
	v15 =	vshrl.u32 v11, $0x2;
	_, v50, _ =	vpop (xrf1)  }
0xca: {  	v3 =	vand.u32 $0x7FF, v3;
	v15 =	vand.u32 $0x3FFFF800, v15;
	v12 =	vadd.s32 v50, v48  }
0xcb: {  	v51 =	vld.idx.msk [tilespmem:v10+s11+$0x0], $0xffff;
	v3 =	vor.u32 v3, v15;
	v12 =	vadd.s32 $0xFFFFFFFF, v12  }
0xcc: {  	v4 =	vshrl.u32 v4, $0xB;
	_, v52, _ =	vpop (xrf1);
	v16 =	vshrl.u32 v12, $0x2  }
0xcd: {  	v4 =	vand.u32 $0x7FF, v4;
	v13 =	vadd.s32 v52, v49;
	v16 =	vand.u32 $0x3FFFF800, v16  }
0xce: {  	v53 =	vor.u32 s20, v2;
	[tilespmem:v5+s11+$0x0] =	vst.idx.add.s32.msk $0xffff, v1;
	v54 =	vadd.s32 $0xFFFFFFFF, v13;
	v4 =	vor.u32 v4, v16  }
0xcf: {  	s18 =	simm.s32 $0x1A000;
	v6 =	vshrl.u32 v6, $0xB;
	_, v55, _ =	vpop (xrf1);
	[tilespmem:v11+s12+$0x0] =	vst.idx.msk $0xffff, v53;
	v56 =	vshrl.u32 v54, $0x2  }
0xd0: {  	v6 =	vand.u32 $0x7FF, v6;
	v57 =	vadd.s32 v55, v51;
	[tilespmem:v3+s18+$0x0] =	vst.idx.add.s32.msk $0xffff, v1;
	v3 =	vand.u32 $0x3FFFF800, v56  }
0xd1: {  	v58 =	vor.u32 s24, v2;
	v59 =	vadd.s32 $0xFFFFFFFF, v57;
	[tilespmem:v7+s11+$0x0] =	vst.idx.add.s32.msk $0xffff, v1;
	v3 =	vor.u32 v6, v3  }
0xd2: {  	v60 =	vshrl.u32 v8, $0xB;
	v61 =	vshrl.u32 v59, $0x2;
	[tilespmem:v12+s12+$0x0] =	vst.idx.msk $0xffff, v58  }
0xd3: {  	v62 =	vand.u32 $0x3FFFF800, v61;
	v7 =	vand.u32 $0x7FF, v60;
	[tilespmem:v4+s18+$0x0] =	vst.idx.add.s32.msk $0xffff, v1  }
0xd4: {  	p1 =	sne.s32 s20, $0x1FF0;
	v63 =	vor.u32 s21, v2;
	v4 =	vor.u32 v7, v62;
	[tilespmem:v9+s11+$0x0] =	vst.idx.add.s32.msk $0xffff, v1  }
.Ltmp4:
0xd5: {  	[tilespmem:v54+s12+$0x0] =	vst.idx.msk $0xffff, v63;
	(pc) =	sbr.rel @p1 .LBB2_11-.Ltmp4, $4  }
0xd6: {  	[tilespmem:v3+s18+$0x0] =	vst.idx.add.s32.msk $0xffff, v1  }
0xd7: {  	v3 =	vor.u32 s23, v2;
	[tilespmem:v10+s11+$0x0] =	vst.idx.add.s32.msk $0xffff, v1  }
0xd8: {  	[tilespmem:v59+s12+$0x0] =	vst.idx.msk $0xffff, v3  }
0xd9: {  	s19 =	sadd.s32 $0x10, s19;
	s20 =	sadd.s32 $0x10, s20;
	[tilespmem:v4+s18+$0x0] =	vst.idx.add.s32.msk $0xffff, v1  }
0xda: {  	v4 =	vld [tilespmem:s18+$0x0];
	s24 =	sand.u32 $0x7E0, s22  }
0xdb: {  	v16 =	vld [tilespmem:s24+$0x1A800]  }
0xdc: {  	v17 =	vld [tilespmem:s24+$0x1B000]  }
0xdd: {  	v3 =	vld [tilespmem:s24+$0x1B800];
	_ =	sdelay $0x1  }
0xde: {  	v24 =	vld [tilespmem:s18+$0x10]  }
0xdf: {  	v28 =	vld [tilespmem:s18+$0x810];
	v6 =	vadd.s32 v4, v16  }
0xe0: {  	v8 =	vld [tilespmem:s18+$0x1010];
	v6 =	vadd.s32 v17, v6  }
0xe1: {  	v5 =	vld [tilespmem:s18+$0x1810];
	v15 =	vadd.s32 v3, v6  }
0xe2: {  	(xrf0) =	vadd.scan.msk.s32 $0xffff, v15;
	_ =	sdelay $0x1  }
0xe3: {  	s19 =	simm.s32 $0x1A020;
	v7 =	vadd.s32 v24, v28  }
0xe4: {  	s20 =	simm.s32 $0x20;
	v9 =	vld [tilespmem:s19+$0x10];
	v3 =	vadd.s32 v8, v7  }
0xe5: {  	v27 =	vld [tilespmem:s19+$0x0];
	s23 =	sand.u32 $0x7E0, s20;
	v20 =	vadd.s32 v5, v3  }
0xe6: {  	v19 =	vld [tilespmem:s23+$0x1A800];
	(xrf0) =	vadd.scan.msk.s32 $0xffff, v20  }
0xe7: {  	v18 =	vld [tilespmem:s23+$0x1B000];
	v7, _, _ =	vpop (xrf0)  }
0xe8: {  	v6 =	vld [tilespmem:s19+$0x810];
	(v2sf) =	vpush v7, $0xF  }
0xe9: {  	v3 =	vld [tilespmem:s19+$0x1010]  }
0xea: {  	v5 =	vld [tilespmem:s23+$0x1B800]  }
0xeb: {  	v10 =	vld [tilespmem:s19+$0x1810]  }
0xec: {  	s21 =	simm.s32 $0x40;
	s20 =	simm.s32 $0x1A040;
	v22, _, _ =	vpop (xrf0)  }
0xed: {  	s21 =	sand.u32 $0x7E0, s21;
	v13 =	vld [tilespmem:s20+$0x0];
	v11 =	vadd.s32 v27, v19;
	(v2sf) =	vpush v22, $0xF  }
0xee: {  	v12 =	vld [tilespmem:s21+$0x1A800];
	v11 =	vadd.s32 v18, v11;
	v21 =	vadd.s32 v9, v6  }
0xef: {  	v14 =	vld [tilespmem:s21+$0x1B000];
	v23 =	vadd.s32 v5, v11;
	v11 =	vadd.s32 v3, v21  }
0xf0: {  	v21 =	vld [tilespmem:s21+$0x1B800];
	v25 =	vadd.s32 v10, v11;
	(xrf0) =	vadd.scan.msk.s32 $0xffff, v23  }
0xf1: {  	v11 =	vld [tilespmem:s20+$0x10];
	(xrf0) =	vadd.scan.msk.s32 $0xffff, v25  }
0xf2: {  	v10 =	vld [tilespmem:s20+$0x810]  }
0xf3: {  	v26 =	vadd.s32 v13, v12;
	v5 =	vld [tilespmem:s20+$0x1010];
	v7 =	vsub.s32 v7, v15  }
0xf4: {  	v29 =	vld [tilespmem:s20+$0x1810];
	v15 =	vadd.s32 v14, v26;
	v26 =	vadd.s32 s22, v7  }
0xf5: {  	v30 =	vadd.s32 v4, v26  }
0xf6: {  	v22 =	vsub.s32 v22, v20;
	[tilespmem:s18+$0x0] =	vst v26;
	v21 =	vadd.s32 v21, v15;
	v26 =	vadd.s32 v16, v30;
	v31, _, _ =	vpop (xrf0)  }
0xf7: {  	s25 =	simm.s32 $0x1A060;
	v16 =	vadd.s32 v17, v26;
	v17 =	vadd.s32 v11, v10;
	(v2sf) =	vpush v31, $0xF;
	v32, _, _ =	vpop (xrf0);
	s28 =	spop (v2sf)  }
0xf8: {  	v7 =	vld [tilespmem:s25+$0x1010];
	[tilespmem:s24+$0x1A800] =	vst v30;
	v30 =	vsub.s32 v31, v23;
	v31 =	vadd.s32 v5, v17;
	(v2sf) =	vpush v32, $0xF;
	s28 =	sadd.s32 $0x0, s28  }
0xf9: {  	v20 =	vld [tilespmem:s25+$0x0];
	(xrf0) =	vadd.scan.msk.s32 $0xffff, v21;
	v63 =	vadd.s32 s28, v22;
	v22 =	vadd.s32 v29, v31  }
0xfa: {  	s26 =	simm.s32 $0x60;
	v4 =	vld [tilespmem:s25+$0x10];
	(xrf0) =	vadd.scan.msk.s32 $0xffff, v22  }
0xfb: {  	s22 =	sand.u32 $0x7E0, s26;
	v15 =	vld [tilespmem:s25+$0x810]  }
0xfc: {  	[tilespmem:s24+$0x1B800] =	vst v16;
	v16 =	vld [tilespmem:s22+$0x1A800];
	s29 =	spop (v2sf)  }
0xfd: {  	[tilespmem:s24+$0x1B000] =	vst v26;
	v17 =	vld [tilespmem:s22+$0x1B000];
	s28 =	sadd.s32 s28, s29  }
0xfe: {  	v23 =	vsub.s32 v32, v25;
	v25 =	vld [tilespmem:s22+$0x1B800];
	v26 =	vadd.s32 s28, v30;
	[tilespmem:s18+$0x10] =	vst v63;
	v30 =	vadd.s32 v24, v63  }
0xff: {  	s24 =	simm.s32 $0x1A060;
	s29 =	simm.s32 $0x6;
	v29, _, _ =	vpop (xrf0);
	v24 =	vld [tilespmem:s25+$0x1810];
	v27 =	vadd.s32 v27, v26;
	[tilespmem:s18+$0x810] =	vst v30;
	v28 =	vadd.s32 v28, v30  }
.LBB2_13:
0x100: {  	v31 =	vsub.s32 v29, v21;
	(v2sf) =	vpush v29, $0xF;
	v29, _, _ =	vpop (xrf0)  }
0x101: {  	s29 =	sadd.s32 $0x2, s29;
	v30 =	vadd.s32 v20, v16;
	s25 =	sadd.s32 $0x20, s25;
	[tilespmem:s18+$0x1010] =	vst v28;
	v32 =	vmovc v10;
	v10 =	vmovc v15;
	v33 =	vmov v13;
	v13 =	vmov v20  }
0x102: {  	v34 =	vld [tilespmem:s25+$0x1010];
	p1 =	slt.u32 s29, $0x7E;
	v15 =	vadd.s32 v17, v30;
	v20 =	vadd.s32 v4, v10;
	(v2sf) =	vpush v29, $0xF;
	[tilespmem:s19+$0x0] =	vst v26  }
0x103: {  	v26 =	vsub.s32 v29, v22;
	v30 =	vld [tilespmem:s25+$0x10];
	v21 =	vadd.s32 v25, v15;
	v20 =	vadd.s32 v7, v20;
	[tilespmem:s23+$0x1A800] =	vst v27  }
0x104: {  	s26 =	sadd.s32 $0x20, s26;
	v15 =	vld [tilespmem:s25+$0x810];
	v22 =	vadd.s32 v24, v20;
	(xrf0) =	vadd.scan.msk.s32 $0xffff, v21;
	v24 =	vadd.s32 v19, v27;
	v27 =	vadd.s32 v8, v28  }
0x105: {  	s30 =	sand.u32 $0x7E0, s26;
	v8 =	vmovc v3;
	v3 =	vmov v5;
	v20 =	vld [tilespmem:s25+$0x0];
	(xrf0) =	vadd.scan.msk.s32 $0xffff, v22;
	v25 =	vadd.s32 v18, v24;
	[tilespmem:s18+$0x1810] =	vst v27;
	s18 =	smov.u32 s19;
	s19 =	smov.u32 s20  }
.Ltmp5:
0x106: {  	v5 =	vmovc v7;
	v19 =	vmovc v12;
	v12 =	vmov v16;
	v18 =	vmov v14;
	v14 =	vmov v17;
	s20 =	smov.u32 s24;
	[tilespmem:s23+$0x1B800] =	vst v25;
	s31 =	spop (v2sf);
	v16 =	vld [tilespmem:s30+$0x1A800];
	(pc) =	sbr.rel @p1 .LBB2_13-.Ltmp5, $4  }
0x107: {  	s24 =	smov.u32 s25;
	v17 =	vld [tilespmem:s30+$0x1B000];
	[tilespmem:s23+$0x1B000] =	vst v24;
	s23 =	sadd.s32 s28, s31;
	s28 =	spop (v2sf);
	v7 =	vmov v34  }
0x108: {  	v25 =	vld [tilespmem:s30+$0x1B800];
	v27 =	vadd.s32 s23, v23;
	s28 =	sadd.s32 s23, s28;
	v23 =	vmov v26  }
0x109: {  	s23 =	smov.u32 s21;
	s21 =	smov.u32 s22;
	s22 =	smov.u32 s30;
	v24 =	vld [tilespmem:s25+$0x1810];
	v26 =	vadd.s32 s28, v31;
	[tilespmem:s18+$0x10] =	vst v27;
	v28 =	vadd.s32 v9, v27;
	v9 =	vmovc v11;
	v11 =	vmovc v4;
	v4 =	vmov v30  }
0x10a: {  	v29, _, _ =	vpop (xrf0);
	v27 =	vadd.s32 v33, v26;
	[tilespmem:s18+$0x810] =	vst v28;
	v28 =	vadd.s32 v6, v28;
	v6 =	vmov v32  }
0x10b: {  	v30 =	vadd.s32 v20, v16  }
0x10c: {  	v30 =	vadd.s32 v17, v30  }
0x10d: {  	(v2sf) =	vpush v29, $0xF;
	v25 =	vadd.s32 v25, v30  }
0x10e: {  	v52, _, _ =	vpop (xrf0);
	(xrf0) =	vadd.scan.msk.s32 $0xffff, v25  }
0x10f: {  	(v2sf) =	vpush v52, $0xF;
	_ =	sdelay $0x1  }
0x110: {  	v31 =	vadd.s32 v4, v15;
	[tilespmem:s18+$0x1010] =	vst v28  }
0x111: {  	[tilespmem:s19+$0x0] =	vst v26;
	v31 =	vadd.s32 v7, v31  }
0x112: {  	v8 =	vadd.s32 v8, v28;
	[tilespmem:s23+$0x1A800] =	vst v27;
	v24 =	vadd.s32 v24, v31  }
0x113: {  	v19 =	vadd.s32 v19, v27;
	[tilespmem:s18+$0x1810] =	vst v8;
	(xrf0) =	vadd.scan.msk.s32 $0xffff, v24;
	s25 =	spop (v2sf);
	v53, _, _ =	vpop (xrf0)  }
0x114: {  	v18 =	vadd.s32 v18, v19;
	[tilespmem:s23+$0x1B000] =	vst v19;
	s18 =	sadd.s32 s28, s25;
	(v2sf) =	vpush v53, $0xF  }
0x115: {  	[tilespmem:s23+$0x1B800] =	vst v18;
	v54 =	vadd.s32 s18, v23  }
0x116: {  	s26 =	spop (v2sf);
	[tilespmem:s19+$0x10] =	vst v54;
	v9 =	vadd.s32 v9, v54  }
0x117: {  	v55 =	vsub.s32 v29, v21;
	s18 =	sadd.s32 s18, s26;
	[tilespmem:s19+$0x810] =	vst v9;
	v6 =	vadd.s32 v6, v9  }
0x118: {  	v56 =	vadd.s32 s18, v55;
	[tilespmem:s19+$0x1010] =	vst v6  }
0x119: {  	v13 =	vadd.s32 v13, v56;
	[tilespmem:s20+$0x0] =	vst v56;
	v57, _, _ =	vpop (xrf0)  }
0x11a: {  	v3 =	vadd.s32 v3, v6;
	[tilespmem:s21+$0x1A800] =	vst v13;
	(v2sf) =	vpush v57, $0xF  }
0x11b: {  	v58 =	vadd.s32 v12, v13;
	[tilespmem:s19+$0x1810] =	vst v3;
	s28 =	spop (v2sf)  }
0x11c: {  	v3 =	vsub.s32 v52, v22;
	v59 =	vadd.s32 v14, v58;
	[tilespmem:s21+$0x1B000] =	vst v58;
	s18 =	sadd.s32 s18, s28  }
0x11d: {  	[tilespmem:s21+$0x1B800] =	vst v59;
	s29 =	spop (v2sf);
	v3 =	vadd.s32 s18, v3  }
0x11e: {  	v60 =	vsub.s32 v53, v25;
	s18 =	sadd.s32 s18, s29;
	[tilespmem:s20+$0x10] =	vst v3;
	v3 =	vadd.s32 v11, v3  }
0x11f: {  	v6 =	vadd.s32 s18, v60;
	[tilespmem:s20+$0x810] =	vst v3  }
0x120: {  	v3 =	vadd.s32 v10, v3;
	[tilespmem:s24+$0x0] =	vst v6  }
0x121: {  	v61 =	vadd.s32 v20, v6;
	[tilespmem:s20+$0x1010] =	vst v3  }
0x122: {  	[tilespmem:s22+$0x1A800] =	vst v61;
	v3 =	vadd.s32 v5, v3  }
0x123: {  	v62 =	vadd.s32 v16, v61;
	[tilespmem:s20+$0x1810] =	vst v3;
	s30 =	spop (v2sf)  }
0x124: {  	v63 =	vadd.s32 v17, v62;
	v3 =	vsub.s32 v57, v24;
	[tilespmem:s22+$0x1B000] =	vst v62;
	s18 =	sadd.s32 s18, s30  }
0x125: {  	[tilespmem:s22+$0x1B800] =	vst v63;
	v3 =	vadd.s32 s18, v3  }
0x126: {  	[tilespmem:s24+$0x10] =	vst v3;
	v3 =	vadd.s32 v4, v3  }
0x127: {  	[tilespmem:s24+$0x810] =	vst v3;
	v3 =	vadd.s32 v15, v3  }
0x128: {  	s19 =	simm.s32 $0x8000;
	[tilespmem:s24+$0x1010] =	vst v3;
	v3 =	vadd.s32 v7, v3  }
0x129: {  	s20 =	simm.s32 $0x0;
	s22 =	simm.s32 $0x0;
	s31 =	spop (v2sf);
	[tilespmem:s24+$0x1810] =	vst v3  }
.LBB2_15:
0x12a: {  	v3 =	vld [tilespmem:s19+$0x0]  }
0x12b: {  	s18 =	sand.u32 $0x1FF0, s20  }
0x12c: {  	v4 =	vld [tilespmem:s18+$0xA000];
	_ =	sdelay $0x2  }
0x12d: {  	v5 =	vld [tilespmem:s18+$0xC000];
	_ =	sdelay $0x1  }
0x12e: {  	v7 =	vld [tilespmem:s18+$0xE000]  }
0x12f: {  	v6 =	vld.idx.msk [tilespmem:v3+s22+$0x0], $0xffff;
	_ =	sdelay $0x1  }
0x130: {  	v8 =	vld.idx.msk [tilespmem:v4+s22+$0x0], $0xffff;
	_ =	sdelay $0x2  }
0x131: {  	v10 =	vld.idx.msk [tilespmem:v5+s22+$0x0], $0xffff;
	v9 =	vshrl.u32 v6, $0xB  }
0x132: {  	v9 =	vand.u32 $0x7FF, v9  }
0x133: {  	v11 =	vshrl.u32 v8, $0xB;
	(xrf1) =	vunique.msk.u32 $0xffff, v9  }
0x134: {  	v13 =	vld.idx.msk [tilespmem:v7+s22+$0x0], $0xffff;
	v12 =	vand.u32 $0x7FF, v11  }
0x135: {  	v12 =	vor.u32 $0x800, v12  }
0x136: {  	v14 =	vshrl.u32 v10, $0xB;
	(xrf1) =	vunique.msk.u32 $0xffff, v12  }
0x137: {  	v15 =	vand.u32 $0x7FF, v14  }
0x138: {  	v15 =	vor.u32 $0x1000, v15  }
0x139: {  	v16 =	vshrl.u32 v13, $0xB;
	(xrf1) =	vunique.msk.u32 $0xffff, v15  }
0x13a: {  	v11 =	vand.u32 $0x7F, v11;
	v17 =	vand.u32 $0x7FF, v16;
	v12 =	vand.u32 $0xF80, v12  }
0x13b: {  	v47 =	vor.u32 $0x1800, v17;
	v11 =	vor.u32 v11, v12  }
0x13c: {  	(xrf1) =	vunique.msk.u32 $0xffff, v47  }
0x13d: {  	v14 =	vand.u32 $0x7F, v14;
	v15 =	vand.u32 $0x1780, v15;
	v48 =	vld.idx.msk [tilespmem:v9+s13+$0x0], $0xffff  }
0x13e: {  	v14 =	vor.u32 v14, v15;
	_ =	sdelay $0x1  }
0x13f: {  	v16 =	vand.u32 $0x7F, v16;
	v12 =	vand.u32 $0x1F80, v47;
	v49 =	vld.idx.msk [tilespmem:v11+s13+$0x0], $0xffff  }
0x140: {  	v12 =	vor.u32 v16, v12;
	_, v18, _ =	vpop (xrf1)  }
0x141: {  	v50 =	vadd.s32 v18, v48  }
0x142: {  	v51 =	vld.idx.msk [tilespmem:v14+s13+$0x0], $0xffff;
	v16 =	vadd.s32 $0xFFFFFFFF, v50  }
0x143: {  	_, v52, _ =	vpop (xrf1);
	v19 =	vshrl.u32 v16, $0x3  }
0x144: {  	v6 =	vshrl.u32 v6, $0x16;
	v15 =	vadd.s32 v52, v49;
	v19 =	vand.u32 $0x1FFFFC00, v19  }
0x145: {  	v53 =	vld.idx.msk [tilespmem:v12+s13+$0x0], $0xffff;
	v15 =	vadd.s32 $0xFFFFFFFF, v15;
	v19 =	vor.u32 v6, v19  }
0x146: {  	v8 =	vshrl.u32 v8, $0x16;
	_, v20, _ =	vpop (xrf1);
	v21 =	vshrl.u32 v15, $0x3  }
0x147: {  	v17 =	vadd.s32 v20, v51;
	v6 =	vshll.u32 v6, $0xF;
	v21 =	vand.u32 $0x1FFFFC00, v21  }
0x148: {  	[tilespmem:v9+s13+$0x0] =	vst.idx.add.s32.msk $0xffff, v1;
	v55 =	vadd.s32 $0xFFFFFFFF, v17;
	v3 =	vor.u32 v3, v6;
	v54 =	vor.u32 v8, v21  }
0x149: {  	s18 =	simm.s32 $0x1C000;
	v10 =	vshrl.u32 v10, $0x16;
	_, v56, _ =	vpop (xrf1);
	v57 =	vshrl.u32 v55, $0x3;
	[tilespmem:v16+s14+$0x0] =	vst.idx.msk $0xffff, v3  }
0x14a: {  	v58 =	vadd.s32 v56, v53;
	v3 =	vshll.u32 v8, $0xF;
	v8 =	vand.u32 $0x1FFFFC00, v57;
	[tilespmem:v19+s18+$0x0] =	vst.idx.add.s32.msk $0xffff, v1  }
0x14b: {  	v60 =	vadd.s32 $0xFFFFFFFF, v58;
	v3 =	vor.u32 v4, v3;
	v59 =	vor.u32 v10, v8;
	[tilespmem:v11+s13+$0x0] =	vst.idx.add.s32.msk $0xffff, v1  }
0x14c: {  	[tilespmem:v15+s14+$0x0] =	vst.idx.msk $0xffff, v3;
	v3 =	vshrl.u32 v60, $0x3  }
0x14d: {  	v62 =	vshrl.u32 v13, $0x16;
	v61 =	vshll.u32 v10, $0xF;
	[tilespmem:v54+s18+$0x0] =	vst.idx.add.s32.msk $0xffff, v1;
	v3 =	vand.u32 $0x1FFFFC00, v3  }
0x14e: {  	p1 =	sne.s32 s20, $0x1FF0;
	v5 =	vor.u32 v5, v61;
	[tilespmem:v14+s13+$0x0] =	vst.idx.add.s32.msk $0xffff, v1;
	v3 =	vor.u32 v62, v3  }
.Ltmp6:
0x14f: {  	[tilespmem:v55+s14+$0x0] =	vst.idx.msk $0xffff, v5;
	(pc) =	sbr.rel @p1 .LBB2_15-.Ltmp6, $4  }
0x150: {  	v63 =	vshll.u32 v62, $0xF;
	[tilespmem:v59+s18+$0x0] =	vst.idx.add.s32.msk $0xffff, v1  }
0x151: {  	v4 =	vor.u32 v7, v63;
	[tilespmem:v12+s13+$0x0] =	vst.idx.add.s32.msk $0xffff, v1  }
0x152: {  	[tilespmem:v60+s14+$0x0] =	vst.idx.msk $0xffff, v4  }
0x153: {  	s19 =	sadd.s32 $0x10, s19;
	s20 =	sadd.s32 $0x10, s20;
	[tilespmem:v3+s18+$0x0] =	vst.idx.add.s32.msk $0xffff, v1  }
0x154: {  	v4 =	vld [tilespmem:s18+$0x0];
	s24 =	sand.u32 $0x3E0, s22  }
0x155: {  	v16 =	vld [tilespmem:s24+$0x1C400]  }
0x156: {  	v17 =	vld [tilespmem:s24+$0x1C800]  }
0x157: {  	v3 =	vld [tilespmem:s24+$0x1CC00];
	_ =	sdelay $0x1  }
0x158: {  	v24 =	vld [tilespmem:s18+$0x10]  }
0x159: {  	v28 =	vld [tilespmem:s18+$0x410];
	v6 =	vadd.s32 v4, v16  }
0x15a: {  	v8 =	vld [tilespmem:s18+$0x810];
	v6 =	vadd.s32 v17, v6  }
0x15b: {  	v5 =	vld [tilespmem:s18+$0xC10];
	v15 =	vadd.s32 v3, v6  }
0x15c: {  	(xrf0) =	vadd.scan.msk.s32 $0xffff, v15;
	_ =	sdelay $0x1  }
0x15d: {  	s19 =	simm.s32 $0x1C020;
	v7 =	vadd.s32 v24, v28  }
0x15e: {  	s20 =	simm.s32 $0x20;
	v9 =	vld [tilespmem:s19+$0x10];
	v3 =	vadd.s32 v8, v7  }
0x15f: {  	v27 =	vld [tilespmem:s19+$0x0];
	s23 =	sand.u32 $0x3E0, s20;
	v20 =	vadd.s32 v5, v3  }
0x160: {  	v19 =	vld [tilespmem:s23+$0x1C400];
	(xrf0) =	vadd.scan.msk.s32 $0xffff, v20  }
0x161: {  	v18 =	vld [tilespmem:s23+$0x1C800];
	v7, _, _ =	vpop (xrf0)  }
0x162: {  	v6 =	vld [tilespmem:s19+$0x410];
	(v2sf) =	vpush v7, $0xF  }
0x163: {  	v3 =	vld [tilespmem:s19+$0x810]  }
0x164: {  	v5 =	vld [tilespmem:s23+$0x1CC00]  }
0x165: {  	v10 =	vld [tilespmem:s19+$0xC10]  }
0x166: {  	s21 =	simm.s32 $0x40;
	s20 =	simm.s32 $0x1C040;
	v22, _, _ =	vpop (xrf0)  }
0x167: {  	s21 =	sand.u32 $0x3E0, s21;
	v14 =	vld [tilespmem:s20+$0x0];
	v11 =	vadd.s32 v27, v19;
	(v2sf) =	vpush v22, $0xF  }
0x168: {  	v12 =	vld [tilespmem:s21+$0x1C400];
	v11 =	vadd.s32 v18, v11;
	v21 =	vadd.s32 v9, v6  }
0x169: {  	v13 =	vld [tilespmem:s21+$0x1C800];
	v23 =	vadd.s32 v5, v11;
	v11 =	vadd.s32 v3, v21  }
0x16a: {  	v21 =	vld [tilespmem:s21+$0x1CC00];
	v25 =	vadd.s32 v10, v11;
	(xrf0) =	vadd.scan.msk.s32 $0xffff, v23  }
0x16b: {  	v11 =	vld [tilespmem:s20+$0x10];
	(xrf0) =	vadd.scan.msk.s32 $0xffff, v25  }
0x16c: {  	v10 =	vld [tilespmem:s20+$0x410]  }
0x16d: {  	v26 =	vadd.s32 v14, v12;
	v5 =	vld [tilespmem:s20+$0x810];
	v7 =	vsub.s32 v7, v15  }
0x16e: {  	v29 =	vld [tilespmem:s20+$0xC10];
	v15 =	vadd.s32 v13, v26;
	v26 =	vadd.s32 s22, v7  }
0x16f: {  	v30 =	vadd.s32 v4, v26  }
0x170: {  	v22 =	vsub.s32 v22, v20;
	[tilespmem:s18+$0x0] =	vst v26;
	v21 =	vadd.s32 v21, v15;
	v26 =	vadd.s32 v16, v30;
	v31, _, _ =	vpop (xrf0)  }
0x171: {  	s25 =	simm.s32 $0x1C060;
	v16 =	vadd.s32 v17, v26;
	v17 =	vadd.s32 v11, v10;
	(v2sf) =	vpush v31, $0xF;
	v32, _, _ =	vpop (xrf0);
	s28 =	spop (v2sf)  }
0x172: {  	v7 =	vld [tilespmem:s25+$0x810];
	[tilespmem:s24+$0x1C400] =	vst v30;
	v30 =	vsub.s32 v31, v23;
	v31 =	vadd.s32 v5, v17;
	(v2sf) =	vpush v32, $0xF;
	s28 =	sadd.s32 $0x0, s28  }
0x173: {  	v20 =	vld [tilespmem:s25+$0x0];
	(xrf0) =	vadd.scan.msk.s32 $0xffff, v21;
	v63 =	vadd.s32 s28, v22;
	v22 =	vadd.s32 v29, v31  }
0x174: {  	s26 =	simm.s32 $0x60;
	v4 =	vld [tilespmem:s25+$0x10];
	(xrf0) =	vadd.scan.msk.s32 $0xffff, v22  }
0x175: {  	s22 =	sand.u32 $0x3E0, s26;
	v15 =	vld [tilespmem:s25+$0x410]  }
0x176: {  	[tilespmem:s24+$0x1CC00] =	vst v16;
	v16 =	vld [tilespmem:s22+$0x1C400];
	s29 =	spop (v2sf)  }
0x177: {  	[tilespmem:s24+$0x1C800] =	vst v26;
	v17 =	vld [tilespmem:s22+$0x1C800];
	s28 =	sadd.s32 s28, s29  }
0x178: {  	v23 =	vsub.s32 v32, v25;
	v25 =	vld [tilespmem:s22+$0x1CC00];
	v26 =	vadd.s32 s28, v30;
	[tilespmem:s18+$0x10] =	vst v63;
	v30 =	vadd.s32 v24, v63  }
0x179: {  	s24 =	simm.s32 $0x1C060;
	s29 =	simm.s32 $0x6;
	v29, _, _ =	vpop (xrf0);
	v24 =	vld [tilespmem:s25+$0xC10];
	v27 =	vadd.s32 v27, v26;
	[tilespmem:s18+$0x410] =	vst v30;
	v28 =	vadd.s32 v28, v30  }
.LBB2_17:
0x17a: {  	v31 =	vsub.s32 v29, v21;
	(v2sf) =	vpush v29, $0xF;
	v29, _, _ =	vpop (xrf0)  }
0x17b: {  	s29 =	sadd.s32 $0x2, s29;
	v30 =	vadd.s32 v20, v16;
	s25 =	sadd.s32 $0x20, s25;
	[tilespmem:s18+$0x810] =	vst v28;
	v32 =	vmovc v10;
	v10 =	vmovc v15;
	v33 =	vmov v14;
	v14 =	vmov v20  }
0x17c: {  	v34 =	vld [tilespmem:s25+$0x810];
	p1 =	slt.u32 s29, $0x3E;
	v15 =	vadd.s32 v17, v30;
	v20 =	vadd.s32 v4, v10;
	(v2sf) =	vpush v29, $0xF;
	[tilespmem:s19+$0x0] =	vst v26  }
0x17d: {  	v26 =	vsub.s32 v29, v22;
	v30 =	vld [tilespmem:s25+$0x10];
	v21 =	vadd.s32 v25, v15;
	v20 =	vadd.s32 v7, v20;
	[tilespmem:s23+$0x1C400] =	vst v27  }
0x17e: {  	s26 =	sadd.s32 $0x20, s26;
	v15 =	vld [tilespmem:s25+$0x410];
	v22 =	vadd.s32 v24, v20;
	(xrf0) =	vadd.scan.msk.s32 $0xffff, v21;
	v24 =	vadd.s32 v19, v27;
	v27 =	vadd.s32 v8, v28  }
0x17f: {  	s30 =	sand.u32 $0x3E0, s26;
	v8 =	vmovc v3;
	v3 =	vmov v5;
	v20 =	vld [tilespmem:s25+$0x0];
	(xrf0) =	vadd.scan.msk.s32 $0xffff, v22;
	v25 =	vadd.s32 v18, v24;
	[tilespmem:s18+$0xC10] =	vst v27;
	s18 =	smov.u32 s19;
	s19 =	smov.u32 s20  }
.Ltmp7:
0x180: {  	v5 =	vmovc v7;
	v19 =	vmovc v12;
	v12 =	vmov v16;
	v18 =	vmov v13;
	v13 =	vmov v17;
	s20 =	smov.u32 s24;
	[tilespmem:s23+$0x1CC00] =	vst v25;
	s31 =	spop (v2sf);
	v16 =	vld [tilespmem:s30+$0x1C400];
	(pc) =	sbr.rel @p1 .LBB2_17-.Ltmp7, $4  }
0x181: {  	s24 =	smov.u32 s25;
	v17 =	vld [tilespmem:s30+$0x1C800];
	[tilespmem:s23+$0x1C800] =	vst v24;
	s23 =	sadd.s32 s28, s31;
	s28 =	spop (v2sf);
	v7 =	vmov v34  }
0x182: {  	v25 =	vld [tilespmem:s30+$0x1CC00];
	v27 =	vadd.s32 s23, v23;
	s28 =	sadd.s32 s23, s28;
	v23 =	vmov v26  }
0x183: {  	s23 =	smov.u32 s21;
	s21 =	smov.u32 s22;
	s22 =	smov.u32 s30;
	v24 =	vld [tilespmem:s25+$0xC10];
	v26 =	vadd.s32 s28, v31;
	[tilespmem:s18+$0x10] =	vst v27;
	v28 =	vadd.s32 v9, v27;
	v9 =	vmovc v11;
	v11 =	vmovc v4;
	v4 =	vmov v30  }
0x184: {  	v29, _, _ =	vpop (xrf0);
	v27 =	vadd.s32 v33, v26;
	[tilespmem:s18+$0x410] =	vst v28;
	v28 =	vadd.s32 v6, v28;
	v6 =	vmov v32  }
0x185: {  	v30 =	vadd.s32 v20, v16  }
0x186: {  	v30 =	vadd.s32 v17, v30  }
0x187: {  	(v2sf) =	vpush v29, $0xF;
	v25 =	vadd.s32 v25, v30  }
0x188: {  	v51, _, _ =	vpop (xrf0);
	(xrf0) =	vadd.scan.msk.s32 $0xffff, v25  }
0x189: {  	(v2sf) =	vpush v51, $0xF;
	_ =	sdelay $0x1  }
0x18a: {  	[tilespmem:s18+$0x810] =	vst v28;
	v31 =	vadd.s32 v4, v15  }
0x18b: {  	[tilespmem:s19+$0x0] =	vst v26;
	v52 =	vadd.s32 v7, v31  }
0x18c: {  	v8 =	vadd.s32 v8, v28;
	[tilespmem:s23+$0x1C400] =	vst v27;
	v24 =	vadd.s32 v24, v52  }
0x18d: {  	v19 =	vadd.s32 v19, v27;
	[tilespmem:s18+$0xC10] =	vst v8;
	(xrf0) =	vadd.scan.msk.s32 $0xffff, v24;
	s25 =	spop (v2sf);
	v53, _, _ =	vpop (xrf0)  }
0x18e: {  	v18 =	vadd.s32 v18, v19;
	[tilespmem:s23+$0x1C800] =	vst v19;
	s18 =	sadd.s32 s28, s25;
	(v2sf) =	vpush v53, $0xF  }
0x18f: {  	[tilespmem:s23+$0x1CC00] =	vst v18;
	v54 =	vadd.s32 s18, v23  }
0x190: {  	s26 =	spop (v2sf);
	[tilespmem:s19+$0x10] =	vst v54;
	v9 =	vadd.s32 v9, v54  }
0x191: {  	v55 =	vsub.s32 v29, v21;
	s18 =	sadd.s32 s18, s26;
	[tilespmem:s19+$0x410] =	vst v9;
	v6 =	vadd.s32 v6, v9  }
0x192: {  	v56 =	vadd.s32 s18, v55;
	[tilespmem:s19+$0x810] =	vst v6  }
0x193: {  	v14 =	vadd.s32 v14, v56;
	[tilespmem:s20+$0x0] =	vst v56;
	v57, _, _ =	vpop (xrf0)  }
0x194: {  	v3 =	vadd.s32 v3, v6;
	[tilespmem:s21+$0x1C400] =	vst v14;
	(v2sf) =	vpush v57, $0xF  }
0x195: {  	v58 =	vadd.s32 v12, v14;
	[tilespmem:s19+$0xC10] =	vst v3;
	s28 =	spop (v2sf)  }
0x196: {  	v3 =	vsub.s32 v51, v22;
	v59 =	vadd.s32 v13, v58;
	[tilespmem:s21+$0x1C800] =	vst v58;
	s18 =	sadd.s32 s18, s28  }
0x197: {  	[tilespmem:s21+$0x1CC00] =	vst v59;
	s29 =	spop (v2sf);
	v3 =	vadd.s32 s18, v3  }
0x198: {  	v60 =	vsub.s32 v53, v25;
	s18 =	sadd.s32 s18, s29;
	[tilespmem:s20+$0x10] =	vst v3;
	v3 =	vadd.s32 v11, v3  }
0x199: {  	v6 =	vadd.s32 s18, v60;
	[tilespmem:s20+$0x410] =	vst v3  }
0x19a: {  	v3 =	vadd.s32 v10, v3;
	[tilespmem:s24+$0x0] =	vst v6  }
0x19b: {  	v61 =	vadd.s32 v20, v6;
	[tilespmem:s20+$0x810] =	vst v3  }
0x19c: {  	[tilespmem:s22+$0x1C400] =	vst v61;
	v3 =	vadd.s32 v5, v3  }
0x19d: {  	v62 =	vadd.s32 v16, v61;
	[tilespmem:s20+$0xC10] =	vst v3;
	s30 =	spop (v2sf)  }
0x19e: {  	v63 =	vadd.s32 v17, v62;
	v3 =	vsub.s32 v57, v24;
	[tilespmem:s22+$0x1C800] =	vst v62;
	s18 =	sadd.s32 s18, s30  }
0x19f: {  	[tilespmem:s22+$0x1CC00] =	vst v63;
	v3 =	vadd.s32 s18, v3  }
0x1a0: {  	[tilespmem:s24+$0x10] =	vst v3;
	v3 =	vadd.s32 v4, v3  }
0x1a1: {  	[tilespmem:s24+$0x410] =	vst v3;
	v3 =	vadd.s32 v15, v3  }
0x1a2: {  	[tilespmem:s24+$0x810] =	vst v3;
	v3 =	vadd.s32 v7, v3  }
0x1a3: {  	s19 =	simm.s32 $0x10000;
	s31 =	spop (v2sf);
	s18 =	simm.s32 $0x0;
	[tilespmem:s24+$0xC10] =	vst v3  }
.LBB2_19:
0x1a4: {  	v3 =	vld [tilespmem:s19+$0x0];
	s20 =	sand.u32 $0x1FF0, s18  }
0x1a5: {  	v4 =	vld [tilespmem:s20+$0x12000];
	_ =	sdelay $0x1  }
0x1a6: {  	v5 =	vld [tilespmem:s20+$0x14000];
	_ =	sdelay $0x1  }
0x1a7: {  	v7 =	vld [tilespmem:s20+$0x16000];
	v6 =	vshrl.u32 v3, $0xF  }
0x1a8: {  	(xrf1) =	vunique.msk.u32 $0xffff, v6;
	v8 =	vshrl.u32 v4, $0xF  }
0x1a9: {  	v9 =	vadd.s32 $0x400, v8  }
0x1aa: {  	v10 =	vshrl.u32 v5, $0xF;
	(xrf1) =	vunique.msk.u32 $0xffff, v9  }
0x1ab: {  	v11 =	vadd.s32 $0x800, v10  }
0x1ac: {  	v12 =	vshrl.u32 v7, $0xF;
	(xrf1) =	vunique.msk.u32 $0xffff, v11  }
0x1ad: {  	v13 =	vadd.s32 $0xC00, v12  }
0x1ae: {  	v8 =	vand.u32 $0x7F, v8;
	v9 =	vand.u32 $0x3FF80, v9;
	(xrf1) =	vunique.msk.u32 $0xffff, v13  }
0x1af: {  	v8 =	vor.u32 v8, v9  }
0x1b0: {  	v10 =	vand.u32 $0x7F, v10;
	v53 =	vand.u32 $0x3FF80, v11  }
0x1b1: {  	v9 =	vor.u32 v10, v53  }
0x1b2: {  	v12 =	vand.u32 $0x7F, v12;
	v55 =	vand.u32 $0x3FF80, v13;
	v54 =	vld.idx.msk [tilespmem:v6+s15+$0x0], $0xffff  }
0x1b3: {  	v11 =	vor.u32 v12, v55  }
0x1b4: {  	v56 =	vld.idx.msk [tilespmem:v8+s15+$0x0], $0xffff;
	_ =	sdelay $0x1  }
0x1b5: {  	v14 =	vld.idx.msk [tilespmem:v9+s15+$0x0], $0xffff;
	_, v57, _ =	vpop (xrf1)  }
0x1b6: {  	v10 =	vadd.s32 v57, v54  }
0x1b7: {  	v15 =	vld.idx.msk [tilespmem:v11+s15+$0x0], $0xffff;
	_, v58, _ =	vpop (xrf1);
	v10 =	vadd.s32 $0xFFFFFFFF, v10  }
0x1b8: {  	v12 =	vadd.s32 v58, v56  }
0x1b9: {  	_, v59, _ =	vpop (xrf1);
	v12 =	vadd.s32 $0xFFFFFFFF, v12  }
0x1ba: {  	v13 =	vadd.s32 v59, v14  }
0x1bb: {  	v3 =	vand.u32 $0x7FFF, v3;
	[tilespmem:v6+s15+$0x0] =	vst.idx.add.s32.msk $0xffff, v1;
	_, v60, _ =	vpop (xrf1);
	v61 =	vadd.s32 $0xFFFFFFFF, v13  }
0x1bc: {  	[tilespmem:v10+s12+$0x0] =	vst.idx.msk $0xffff, v3;
	v3 =	vadd.s32 v60, v15  }
0x1bd: {  	p1 =	sne.s32 s18, $0x1FF0;
	v4 =	vand.u32 $0x7FFF, v4;
	[tilespmem:v8+s15+$0x0] =	vst.idx.add.s32.msk $0xffff, v1;
	v3 =	vadd.s32 $0xFFFFFFFF, v3  }
.Ltmp8:
0x1be: {  	[tilespmem:v12+s12+$0x0] =	vst.idx.msk $0xffff, v4;
	(pc) =	sbr.rel @p1 .LBB2_19-.Ltmp8, $4  }
0x1bf: {  	v62 =	vand.u32 $0x7FFF, v5;
	[tilespmem:v9+s15+$0x0] =	vst.idx.add.s32.msk $0xffff, v1  }
0x1c0: {  	[tilespmem:v61+s12+$0x0] =	vst.idx.msk $0xffff, v62  }
0x1c1: {  	v63 =	vand.u32 $0x7FFF, v7;
	[tilespmem:v11+s15+$0x0] =	vst.idx.add.s32.msk $0xffff, v1  }
0x1c2: {  	s19 =	sadd.s32 $0x10, s19;
	s18 =	sadd.s32 $0x10, s18;
	[tilespmem:v3+s12+$0x0] =	vst.idx.msk $0xffff, v63  }
0x1c3: {  	s19 =	simm.s32 $0x0  }
0x1c4: {  	v3 =	vld [tilespmem:s19+$0xE010]  }
0x1c5: {  	v4 =	vld [tilespmem:s19+$0x8000]  }
0x1c6: {  	v5 =	vld [tilespmem:s19+$0xA000]  }
0x1c7: {  	v6 =	vld [tilespmem:s19+$0xC000]  }
0x1c8: {  	v7 =	vld [tilespmem:s19+$0xE000]  }
0x1c9: {  	v8 =	vld [tilespmem:s19+$0x8010]  }
0x1ca: {  	v9 =	vld [tilespmem:s19+$0xA010]  }
0x1cb: {  	s18 =	simm.s32 $0x20;
	v10 =	vld [tilespmem:s19+$0xC010]  }
0x1cc: {  	v11 =	vld [tilespmem:s18+$0xE010]  }
0x1cd: {  	v15 =	vld [tilespmem:s18+$0xA000]  }
0x1ce: {  	v3 =	vld.idx.msk [tilespmem:v3+s5+$0x0], $0xffff  }
0x1cf: {  	v4 =	vld.idx.msk [tilespmem:v4+s5+$0x0], $0xffff  }
0x1d0: {  	v5 =	vld.idx.msk [tilespmem:v5+s5+$0x0], $0xffff  }
0x1d1: {  	v6 =	vld.idx.msk [tilespmem:v6+s5+$0x0], $0xffff  }
0x1d2: {  	v7 =	vld.idx.msk [tilespmem:v7+s5+$0x0], $0xffff  }
0x1d3: {  	v8 =	vld.idx.msk [tilespmem:v8+s5+$0x0], $0xffff;
	vm0 =	vlt.s32 v3, $0x0  }
0x1d4: {  	v12 =	vld.idx.msk [tilespmem:v10+s5+$0x0], $0xffff;
	v10 =	vand.u32 $0x7FFFFFFF, v3;
	v3 =	vxor.u32 $0xFFFFFFFF, v3;
	vm1 =	vlt.s32 v4, $0x0  }
0x1d5: {  	v13 =	vld [tilespmem:s18+$0x8000];
	v14 =	vand.u32 $0x7FFFFFFF, v4;
	v4 =	vxor.u32 $0xFFFFFFFF, v4;
	vm12 =	vlt.s32 v5, $0x0  }
0x1d6: {  	v17 =	vld [tilespmem:s18+$0xC000];
	v16 =	vxor.u32 $0xFFFFFFFF, v5;
	vm2 =	vlt.s32 v6, $0x0;
	v18 =	vand.u32 $0x7FFFFFFF, v6  }
0x1d7: {  	v9 =	vld.idx.msk [tilespmem:v9+s5+$0x0], $0xffff;
	v19 =	vxor.u32 $0xFFFFFFFF, v6;
	vm3 =	vlt.s32 v7, $0x0;
	v20 =	vand.u32 $0x7FFFFFFF, v7  }
0x1d8: {  	v7 =	vxor.u32 $0xFFFFFFFF, v7;
	v3 =	vsel vm0, v10, v3;
	v10 =	vand.u32 $0x7FFFFFFF, v5;
	v5 =	vld [tilespmem:s18+$0xE000]  }
0x1d9: {  	v6 =	vld [tilespmem:s18+$0x8010];
	vm13 =	vlt.s32 v8, $0x0;
	v60 =	vand.u32 $0x7FFFFFFF, v8;
	v61 =	vsel vm2, v18, v19;
	[tilespmem:s19+$0x16010] =	vst v3  }
0x1da: {  	v8 =	vxor.u32 $0xFFFFFFFF, v8;
	v7 =	vsel vm3, v20, v7;
	v3 =	vsel vm1, v14, v4;
	v4 =	vld [tilespmem:s18+$0xA010];
	[tilespmem:s19+$0x14000] =	vst v61  }
0x1db: {  	v14 =	vsel vm13, v60, v8;
	[tilespmem:s19+$0x16000] =	vst v7;
	v8 =	vld.idx.msk [tilespmem:v15+s5+$0x0], $0xffff  }
0x1dc: {  	vm14 =	vlt.s32 v9, $0x0;
	v10 =	vsel vm12, v10, v16;
	[tilespmem:s19+$0x10000] =	vst v3;
	v3 =	vld [tilespmem:s18+$0xC010]  }
0x1dd: {  	v62 =	vand.u32 $0x7FFFFFFF, v9;
	vm15 =	vlt.s32 v12, $0x0;
	[tilespmem:s19+$0x12000] =	vst v10;
	v10 =	vld.idx.msk [tilespmem:v11+s5+$0x0], $0xffff;
	v11 =	vxor.u32 $0xFFFFFFFF, v9  }
0x1de: {  	v7 =	vand.u32 $0x7FFFFFFF, v12;
	v12 =	vxor.u32 $0xFFFFFFFF, v12;
	v9 =	vld.idx.msk [tilespmem:v13+s5+$0x0], $0xffff;
	[tilespmem:s19+$0x10010] =	vst v14;
	v63 =	vsel vm14, v62, v11  }
0x1df: {  	s20 =	simm.s32 $0x2;
	s21 =	simm.s32 $0x100;
	v11 =	vsel vm15, v7, v12;
	v7 =	vld.idx.msk [tilespmem:v17+s5+$0x0], $0xffff;
	[tilespmem:s19+$0x12010] =	vst v63  }
.LBB2_21:
0x1e0: {  	v5 =	vld.idx.msk [tilespmem:v5+s5+$0x0], $0xffff;
	[tilespmem:s19+$0x14010] =	vst v11;
	s19 =	smov.u32 s18;
	s18 =	sshra.s32 s21, $0x2  }
0x1e1: {  	v11 =	vld [tilespmem:s18+$0xE010]  }
0x1e2: {  	vm0 =	vlt.s32 v10, $0x0;
	v12 =	vand.u32 $0x7FFFFFFF, v10;
	v10 =	vxor.u32 $0xFFFFFFFF, v10;
	v6 =	vld.idx.msk [tilespmem:v6+s5+$0x0], $0xffff  }
0x1e3: {  	s20 =	sadd.s32 $0x2, s20;
	vm1 =	vlt.s32 v9, $0x0;
	v13 =	vand.u32 $0x7FFFFFFF, v9;
	v10 =	vsel vm0, v12, v10;
	v4 =	vld.idx.msk [tilespmem:v4+s5+$0x0], $0xffff  }
0x1e4: {  	p1 =	slt.u32 s20, $0x1FE;
	v9 =	vxor.u32 $0xFFFFFFFF, v9;
	vm0 =	vlt.s32 v8, $0x0;
	v12 =	vand.u32 $0x7FFFFFFF, v8;
	v3 =	vld.idx.msk [tilespmem:v3+s5+$0x0], $0xffff;
	[tilespmem:s19+$0x16010] =	vst v10  }
0x1e5: {  	v8 =	vxor.u32 $0xFFFFFFFF, v8;
	vm2 =	vlt.s32 v7, $0x0;
	v10 =	vand.u32 $0x7FFFFFFF, v7;
	v14 =	vld [tilespmem:s18+$0x8000]  }
0x1e6: {  	v7 =	vxor.u32 $0xFFFFFFFF, v7;
	vm3 =	vlt.s32 v5, $0x0;
	v16 =	vand.u32 $0x7FFFFFFF, v5;
	v15 =	vld [tilespmem:s18+$0xA000]  }
0x1e7: {  	v9 =	vsel vm1, v13, v9;
	v8 =	vsel vm0, v12, v8;
	v12 =	vxor.u32 $0xFFFFFFFF, v5;
	v17 =	vld [tilespmem:s18+$0xC000]  }
0x1e8: {  	vm0 =	vlt.s32 v6, $0x0;
	v13 =	vxor.u32 $0xFFFFFFFF, v6;
	v5 =	vld [tilespmem:s18+$0xE000];
	[tilespmem:s19+$0x10000] =	vst v9;
	v9 =	vand.u32 $0x7FFFFFFF, v6  }
0x1e9: {  	vm1 =	vlt.s32 v4, $0x0;
	v18 =	vxor.u32 $0xFFFFFFFF, v4;
	v6 =	vld [tilespmem:s18+$0x8010];
	[tilespmem:s19+$0x12000] =	vst v8;
	v8 =	vand.u32 $0x7FFFFFFF, v4  }
0x1ea: {  	vm4 =	vlt.s32 v3, $0x0;
	v19 =	vand.u32 $0x7FFFFFFF, v3;
	v20 =	vxor.u32 $0xFFFFFFFF, v3;
	v4 =	vld [tilespmem:s18+$0xA010]  }
.Ltmp9:
0x1eb: {  	v7 =	vsel vm2, v10, v7;
	v12 =	vsel vm3, v16, v12;
	v13 =	vsel vm0, v9, v13;
	v3 =	vld [tilespmem:s18+$0xC010];
	(pc) =	sbr.rel @p1 .LBB2_21-.Ltmp9, $4  }
0x1ec: {  	v16 =	vsel vm1, v8, v18;
	v10 =	vld.idx.msk [tilespmem:v11+s5+$0x0], $0xffff;
	[tilespmem:s19+$0x14000] =	vst v7;
	v11 =	vsel vm4, v19, v20  }
0x1ed: {  	v9 =	vld.idx.msk [tilespmem:v14+s5+$0x0], $0xffff;
	[tilespmem:s19+$0x16000] =	vst v12  }
0x1ee: {  	v8 =	vld.idx.msk [tilespmem:v15+s5+$0x0], $0xffff;
	[tilespmem:s19+$0x10010] =	vst v13  }
0x1ef: {  	s21 =	sadd.s32 $0x80, s21;
	v7 =	vld.idx.msk [tilespmem:v17+s5+$0x0], $0xffff;
	[tilespmem:s19+$0x12010] =	vst v16  }
0x1f0: {  	_ =	sdelay $0x3  }
0x1f1: {  	v5 =	vld.idx.msk [tilespmem:v5+s5+$0x0], $0xffff;
	vm0 =	vlt.s32 v10, $0x0  }
0x1f2: {  	v6 =	vld.idx.msk [tilespmem:v6+s5+$0x0], $0xffff;
	v12 =	vand.u32 $0x7FFFFFFF, v10;
	v54 =	vxor.u32 $0xFFFFFFFF, v10;
	vm1 =	vlt.s32 v9, $0x0  }
0x1f3: {  	v13 =	vand.u32 $0x7FFFFFFF, v9;
	v10 =	vsel vm0, v12, v54;
	v55 =	vxor.u32 $0xFFFFFFFF, v9  }
0x1f4: {  	v4 =	vld.idx.msk [tilespmem:v4+s5+$0x0], $0xffff;
	vm12 =	vlt.s32 v8, $0x0;
	v56 =	vand.u32 $0x7FFFFFFF, v8;
	v57 =	vxor.u32 $0xFFFFFFFF, v8  }
0x1f5: {  	[tilespmem:s19+$0x14010] =	vst v11;
	v3 =	vld.idx.msk [tilespmem:v3+s5+$0x0], $0xffff;
	v9 =	vsel vm1, v13, v55;
	vm2 =	vlt.s32 v7, $0x0;
	v58 =	vand.u32 $0x7FFFFFFF, v7  }
0x1f6: {  	[tilespmem:s18+$0x16010] =	vst v10;
	v59 =	vxor.u32 $0xFFFFFFFF, v7;
	v8 =	vsel vm12, v56, v57;
	vm3 =	vlt.s32 v5, $0x0  }
0x1f7: {  	[tilespmem:s18+$0x10000] =	vst v9;
	v60 =	vand.u32 $0x7FFFFFFF, v5;
	v5 =	vxor.u32 $0xFFFFFFFF, v5;
	vm13 =	vlt.s32 v6, $0x0  }
0x1f8: {  	v61 =	vand.u32 $0x7FFFFFFF, v6;
	v6 =	vxor.u32 $0xFFFFFFFF, v6;
	[tilespmem:s18+$0x12000] =	vst v8;
	v7 =	vsel vm2, v58, v59  }
0x1f9: {  	vm14 =	vlt.s32 v4, $0x0;
	v62 =	vand.u32 $0x7FFFFFFF, v4;
	v5 =	vsel vm3, v60, v5;
	[tilespmem:s18+$0x14000] =	vst v7  }
0x1fa: {  	v4 =	vxor.u32 $0xFFFFFFFF, v4;
	vm15 =	vlt.s32 v3, $0x0;
	v6 =	vsel vm13, v61, v6;
	[tilespmem:s18+$0x16000] =	vst v5  }
0x1fb: {  	v63 =	vand.u32 $0x7FFFFFFF, v3;
	v3 =	vxor.u32 $0xFFFFFFFF, v3;
	v4 =	vsel vm14, v62, v4;
	[tilespmem:s18+$0x10010] =	vst v6  }
0x1fc: {  	v3 =	vsel vm15, v63, v3;
	[tilespmem:s18+$0x12010] =	vst v4  }
0x1fd: {  	s30 =	sadd.s32 s3, s17;
	[tilespmem:s18+$0x14010] =	vst v3  }
0x1fe: {  	[hbm4b:s30+s8] =	stream.strided.scatter [tilespmem:s12], [sflag:$0x1], $0x8000, s9, s8, $0x38;
	[tilespmem:$0x1D000] =	vst v63  }
0x1ff: {  	_ =	swait.ge [sflag:s10], $0x8000  }
0x200: {  	[sflag:s10] =	ssyncset.done $0x0  }
.Ltmp10:
0x201: {  	s31 =	sadd.s32 s2, s17;
	[sflag:s10] =	ssyncadd.s32 $0xFFFF8000;
	(pc) =	sbr.rel @p0 .LBB2_2-.Ltmp10, $4  }
0x202: {  	[hbm4b:s31+s8] =	stream.strided.scatter [tilespmem:s14], [sflag:$0x1], $0x8000, s9, s8, $0x38;
	[tilespmem:$0x1D000] =	vst v63  }
0x203: {  	_ =	swait.ge [sflag:s10], $0x8000  }
0x204: {  	[sflag:s10] =	ssyncset.done $0x0  }
0x205: {  	s17 =	simm.s32 $0x20000;
	p1 =	por $0x0, $0x0;
	[sflag:s10] =	ssyncadd.s32 $0xFFFF8000  }
0x206: {  	s16 =	sadd.s32 $0x1, s16  }
0x207: {  	p0 =	sne.s32 s16, s7  }
.Ltmp11:
0x208: {  	_ = 	snop;
	(pc) =	sbr.rel @p0 .LBB2_1-.Ltmp11, $1  }
0x209: {  	_ =	sdelay $0x3  }
0x20a: {  	_ =	sfence.sel $0x180000  }
0x20b: {  	[bflag:$0x0] =	sbarrier.arrive $0xFFFF  }
0x20c: {  	p0 =	sne.s32 s4, $0x0;
	_ =	strace $0x90000047  }
0x20d: {  	s0 =	sadd.s32 @!p0 $0x100000, s0;
	[bflag:$0x2] =	sbarrier.arrive $0xFFFF  }
0x20e: {  	[sflag:s0] =	ssyncadd.tile.s32 @!p0 $0x1;
	_ =	shalt  }
.Lfunc_end2:
_tile_overlayer_lowered:
.L_overlay_start_2:
0x20f: {  	(tag) =	ssettag $0x2  }
0x210: {  	s0 =	rddreg [dreg:$0x0];
	s2 =	stileid.u32  }
0x211: {  	s1 =	rddreg [dreg:$0x1];
	p0 =	sne.s32 s2, $0x0  }
0x212: {  	s3 =	rddreg [dreg:$0x2];
	[bflag:$0x3] =	sbarrier.arrive $0xFFFF;
	s2 =	simm.s32 @!p0 $0x1C01  }
0x213: {  	[timem:s3], [sflag:s2] =	dma.local @!p0 [hbm:s0], s1  }
0x214: {  	s0 =	simm.s32 @!p0 $0x1  }
0x215: {  	_ =	swait.ge @!p0 [sflag:s0], s1  }
0x216: {  	s1 =	ssub.s32 @!p0 $0x0, s1;
	[sflag:s0] =	ssyncset.done @!p0 $0x0  }
0x217: {  	[sflag:s0] =	ssyncadd.s32 @!p0 s1  }
0x218: {  	[bflag:$0x3] =	sbarrier.arrive $0xFFFF  }
0x219: {  	_ =	shalt  }

</sc_bundles>
